<compile_context>
chip_gen: v7x
topology: tpu7x:2x2x1
jax: 0.10.2.dev20260603
libtpu: 0.0.44.dev20260713+nightly
codegen_flags: <defaults>
</compile_context>

<pallas_src>
import jax
import jax.numpy as jnp
from jax import lax
from jax.experimental import pallas as pl
from jax.experimental.pallas import tpu as pltpu
from jax.experimental.pallas import tpu_sc as plsc

_B = 4096
_H = 128
_NC = 2
_NS = 16
_L = 16
_NW = _NC * _NS
_BPW = _B // _NW
_C = 4
_R = _BPW // _C
_REG = _BPW + 8


def _sc_body(in_hbm, hs_hbm, pos_hbm, op_hbm, out_hbm,
             pos_v, op_v, gidx_v, sidx_v, rows_v, shared,
             sem_in, sem_g0, sem_g1, sem_g2, sem_g3,
             sem_s0, sem_s1, sem_s2, sem_s3,
             sem_w0, sem_w1, sem_w2, sem_w3):
    sem_g = (sem_g0, sem_g1, sem_g2, sem_g3)
    sem_s = (sem_s0, sem_s1, sem_s2, sem_s3)
    sem_w = (sem_w0, sem_w1, sem_w2, sem_w3)

    cid = lax.axis_index("c")
    sid = lax.axis_index("s")
    wid = sid * _NC + cid
    base = wid * _BPW
    spbase = sid * _REG

    in_cp = pltpu.async_copy(in_hbm.at[pl.ds(base, _BPW)],
                             shared.at[pl.ds(spbase, _BPW)], sem_in)
    pltpu.sync_copy(pos_hbm.at[pl.ds(base, _BPW)], pos_v)
    pltpu.sync_copy(op_hbm.at[pl.ds(base, _BPW)], op_v)

    dump_slot = spbase + _BPW
    for c in range(_C):
        for q in range(_R // _L):
            j0 = c * _R + q * _L
            sl = pl.ds(j0, _L)
            p = pos_v[sl]
            o = op_v[sl]
            row = base + j0 + lax.iota(jnp.int32, _L)
            loc = spbase + j0 + lax.iota(jnp.int32, _L)
            gidx_v[c, pl.ds(q * _L, _L)] = (p + o) * _B + row
            sidx_v[c, pl.ds(q * _L, _L)] = jnp.where(o == 1, dump_slot, loc)

    g_cps = [
        pltpu.async_copy(hs_hbm.at[gidx_v.at[c]],
                         rows_v.at[pl.ds(c * _R, _R)], sem_g[c])
        for c in range(_C)
    ]
    in_cp.wait()
    s_cps = []
    for c in range(_C):
        g_cps[c].wait()
        s_cps.append(pltpu.async_copy(
            rows_v.at[pl.ds(c * _R, _R)], shared.at[sidx_v.at[c]], sem_s[c]))
    w_cps = []
    for c in range(_C):
        s_cps[c].wait()
        w_cps.append(pltpu.async_copy(
            shared.at[pl.ds(spbase + c * _R, _R)],
            out_hbm.at[pl.ds(base + c * _R, _R)], sem_w[c]))
    for c in range(_C):
        w_cps[c].wait()


@jax.jit
def _state_stack_sc(inp, hs_flat, pos, op):
    mesh = plsc.VectorSubcoreMesh(
        core_axis_name="c", subcore_axis_name="s",
        num_cores=_NC, num_subcores=_NS)
    call = pl.kernel(
        _sc_body,
        out_type=jax.ShapeDtypeStruct((_B, _H), jnp.float32),
        mesh=mesh,
        scratch_types=[
            pltpu.VMEM((_BPW,), jnp.int32),
            pltpu.VMEM((_BPW,), jnp.int32),
            pltpu.VMEM((_C, _R), jnp.int32),
            pltpu.VMEM((_C, _R), jnp.int32),
            pltpu.VMEM((_BPW, _H), jnp.float32),
            pltpu.VMEM_SHARED((_NS * _REG, _H), jnp.float32),
        ] + [pltpu.SemaphoreType.DMA] * 13,
    )
    return call(inp, hs_flat, pos, op)


def kernel(input, hidden_stack, pos, op, batch_indexes):
    seq = hidden_stack.shape[0]
    hs_flat = hidden_stack.reshape(seq * _B, _H)
    return _state_stack_sc(input, hs_flat, pos, op)

# --- scband reference (transcript-rebuilt; emitter-appended) ---
"""Pipeline reference for scband-state-stack-91242285236581 (READ-ONLY COPY).

The authoritative reference and input builder live on the scoring server;
editing this copy changes nothing except your own understanding.
"""

import jax, jax.numpy as jnp
import numpy as np

B = 4096
H = 128
SEQ = 200


def setup_inputs(seed: int = 0) -> dict:
    key = jax.random.key(seed)
    k1, k2, k3, k4 = jax.random.split(key, 4)
    inp = jax.random.normal(k1, (B, H), dtype=jnp.float32)
    hidden_stack = jax.random.normal(k2, (SEQ + 2, B, H), dtype=jnp.float32)
    # pos in [1, SEQ-2] so pos+1 and pos+op stay strictly in-range
    pos = jax.random.randint(k3, (B,), 1, SEQ - 1).astype(jnp.int32)
    # op in {-1, 0, 1}: randint in [0,3) shifted down by 1
    op = (jax.random.randint(k4, (B,), 0, 3) - 1).astype(jnp.int32)
    batch_indexes = jnp.arange(B, dtype=jnp.int32)
    return {
        "input": inp,
        "hidden_stack": hidden_stack,
        "pos": pos,
        "op": op,
        "batch_indexes": batch_indexes,
    }


def reference(input, hidden_stack, pos, op, batch_indexes):
    # StateStack.forward:
    #   self.hidden_stack[(self.pos + 1), batch_indexes, :] = input  (scatter-overwrite)
    #   self.pos = self.pos + op
    #   hidden_ret = gather(hidden_stack, 0, pos)                    (gather)
    hs = hidden_stack.at[pos + 1, batch_indexes, :].set(input)
    new_pos = pos + op
    hidden_ret = hs[new_pos, batch_indexes, :]
    return hidden_ret

if __name__ == "__main__":
    import jax
    _d = setup_inputs()
    print(jax.jit(kernel)(*tuple(_d.values())))

</pallas_src>

<mosaic_0001>
#map = affine_map<(d0, d1) -> (0, 0)>
#map1 = affine_map<(d0, d1) -> (0)>
module attributes {stable_mosaic.version = 14 : i64} {
  func.func @_sc_body(%arg0: i32, %arg1: i32, %arg2: memref<4096x128xf32, #tpu.memory_space<hbm>>, %arg3: memref<827392x128xf32, #tpu.memory_space<hbm>>, %arg4: memref<4096xi32, #tpu.memory_space<hbm>>, %arg5: memref<4096xi32, #tpu.memory_space<hbm>>, %arg6: memref<4096x128xf32, #tpu.memory_space<hbm>>, %arg7: memref<128xi32, #tpu.memory_space<vmem>>, %arg8: memref<128xi32, #tpu.memory_space<vmem>>, %arg9: memref<4x32xi32, #tpu.memory_space<vmem>>, %arg10: memref<4x32xi32, #tpu.memory_space<vmem>>, %arg11: memref<128x128xf32, #tpu.memory_space<vmem>>, %arg12: memref<2176x128xf32, #tpu.memory_space<vmem_shared>>, %arg13: memref<!tpu.dma_semaphore, #tpu.memory_space<semaphore_mem>>, %arg14: memref<!tpu.dma_semaphore, #tpu.memory_space<semaphore_mem>>, %arg15: memref<!tpu.dma_semaphore, #tpu.memory_space<semaphore_mem>>, %arg16: memref<!tpu.dma_semaphore, #tpu.memory_space<semaphore_mem>>, %arg17: memref<!tpu.dma_semaphore, #tpu.memory_space<semaphore_mem>>, %arg18: memref<!tpu.dma_semaphore, #tpu.memory_space<semaphore_mem>>, %arg19: memref<!tpu.dma_semaphore, #tpu.memory_space<semaphore_mem>>, %arg20: memref<!tpu.dma_semaphore, #tpu.memory_space<semaphore_mem>>, %arg21: memref<!tpu.dma_semaphore, #tpu.memory_space<semaphore_mem>>, %arg22: memref<!tpu.dma_semaphore, #tpu.memory_space<semaphore_mem>>, %arg23: memref<!tpu.dma_semaphore, #tpu.memory_space<semaphore_mem>>, %arg24: memref<!tpu.dma_semaphore, #tpu.memory_space<semaphore_mem>>, %arg25: memref<!tpu.dma_semaphore, #tpu.memory_space<semaphore_mem>>) attributes {dimension_semantics = [#tpu.dimension_semantics<core_parallel>, #tpu.dimension_semantics<subcore_parallel>], iteration_bounds = array<i64: 2, 16>, scalar_prefetch = 0 : i64, scratch_operands = 19 : i64, tpu.core_type = #tpu.core_type<sc_vector_subcore>, window_params = [{transform_indices = #map}, {transform_indices = #map}, {transform_indices = #map1}, {transform_indices = #map1}, {transform_indices = #map}]} {
    %mul3A = arith.constant 2 : i32
    %mul3A_0 = arith.muli %arg1, %mul3A : i32
    %add3A = arith.addi %mul3A_0, %arg0 : i32
    %mul3A_1 = arith.constant 128 : i32
    %mul3A_2 = arith.muli %add3A, %mul3A_1 : i32
    %mul3A_3 = arith.constant 136 : i32
    %mul3A_4 = arith.muli %arg1, %mul3A_3 : i32
    %dma_start3A = arith.constant 0 : i32
    %dma_start3A_5 = tpu.memref_slice %arg12[%mul3A_4, %dma_start3A] : memref<2176x128xf32, #tpu.memory_space<vmem_shared>> -> memref<128x128xf32, #tpu.memory_space<vmem_shared>>
    %dma_start3A_6 = arith.constant 0 : i32
    %dma_start3A_7 = tpu.memref_slice %arg2[%mul3A_2, %dma_start3A_6] : memref<4096x128xf32, #tpu.memory_space<hbm>> -> memref<128x128xf32, #tpu.memory_space<hbm>>
    tpu.enqueue_dma source(%dma_start3A_7 : memref<128x128xf32, #tpu.memory_space<hbm>>) target(%dma_start3A_5 : memref<128x128xf32, #tpu.memory_space<vmem_shared>>) target_semaphore(%arg13 : memref<!tpu.dma_semaphore, #tpu.memory_space<semaphore_mem>>)
    "tpu.region"() ({
      %run_scoped3A = tpu.sem_alloc : memref<!tpu.dma_semaphore, #tpu.memory_space<semaphore_mem>>
      %dma_start3A_519 = tpu.memref_slice %arg4[%mul3A_2] : memref<4096xi32, #tpu.memory_space<hbm>> -> memref<128xi32, #tpu.memory_space<hbm>>
      %dma_start3A_520 = tpu.memref_slice %arg4[%mul3A_2] : memref<4096xi32, #tpu.memory_space<hbm>> -> memref<128xi32, #tpu.memory_space<hbm>>
      tpu.enqueue_dma source(%dma_start3A_520 : memref<128xi32, #tpu.memory_space<hbm>>) target(%arg7 : memref<128xi32, #tpu.memory_space<vmem>>) target_semaphore(%run_scoped3A : memref<!tpu.dma_semaphore, #tpu.memory_space<semaphore_mem>>)
      %dma_wait3A_521 = tpu.memref_slice %arg4[%mul3A_2] : memref<4096xi32, #tpu.memory_space<hbm>> -> memref<128xi32, #tpu.memory_space<hbm>>
      %dma_wait3A_522 = tpu.memref_slice %arg4[%mul3A_2] : memref<4096xi32, #tpu.memory_space<hbm>> -> memref<128xi32, #tpu.memory_space<hbm>>
      tpu.wait_dma2 semaphore(%run_scoped3A : memref<!tpu.dma_semaphore, #tpu.memory_space<semaphore_mem>>) src(%dma_wait3A_522 : memref<128xi32, #tpu.memory_space<hbm>>) dst(%arg7 : memref<128xi32, #tpu.memory_space<vmem>>)
      tpu.yield
    }) : () -> ()
    "tpu.region"() ({
      %run_scoped3A = tpu.sem_alloc : memref<!tpu.dma_semaphore, #tpu.memory_space<semaphore_mem>>
      %dma_start3A_519 = tpu.memref_slice %arg5[%mul3A_2] : memref<4096xi32, #tpu.memory_space<hbm>> -> memref<128xi32, #tpu.memory_space<hbm>>
      %dma_start3A_520 = tpu.memref_slice %arg5[%mul3A_2] : memref<4096xi32, #tpu.memory_space<hbm>> -> memref<128xi32, #tpu.memory_space<hbm>>
      tpu.enqueue_dma source(%dma_start3A_520 : memref<128xi32, #tpu.memory_space<hbm>>) target(%arg8 : memref<128xi32, #tpu.memory_space<vmem>>) target_semaphore(%run_scoped3A : memref<!tpu.dma_semaphore, #tpu.memory_space<semaphore_mem>>)
      %dma_wait3A_521 = tpu.memref_slice %arg5[%mul3A_2] : memref<4096xi32, #tpu.memory_space<hbm>> -> memref<128xi32, #tpu.memory_space<hbm>>
      %dma_wait3A_522 = tpu.memref_slice %arg5[%mul3A_2] : memref<4096xi32, #tpu.memory_space<hbm>> -> memref<128xi32, #tpu.memory_space<hbm>>
      tpu.wait_dma2 semaphore(%run_scoped3A : memref<!tpu.dma_semaphore, #tpu.memory_space<semaphore_mem>>) src(%dma_wait3A_522 : memref<128xi32, #tpu.memory_space<hbm>>) dst(%arg8 : memref<128xi32, #tpu.memory_space<vmem>>)
      tpu.yield
    }) : () -> ()
    %add3A_8 = arith.constant 128 : i32
    %add3A_9 = arith.addi %mul3A_4, %add3A_8 : i32
    %get3A = arith.constant 0 : index
    %get3A_10 = tpu.vector_load %arg7[%get3A] {strides = array<i32>} : memref<128xi32, #tpu.memory_space<vmem>>, vector<16xi32>,
    %get3A_11 = vector.shape_cast %get3A_10 : vector<16xi32> to vector<16xi32>
    %get3A_12 = arith.constant 0 : index
    %get3A_13 = tpu.vector_load %arg8[%get3A_12] {strides = array<i32>} : memref<128xi32, #tpu.memory_space<vmem>>, vector<16xi32>,
    %get3A_14 = vector.shape_cast %get3A_13 : vector<16xi32> to vector<16xi32>
    %add3A_15 = arith.constant 0 : i32
    %add3A_16 = arith.addi %mul3A_2, %add3A_15 : i32
    %iota3A = tpu.iota {dimensions = array<i32: 0>} : vector<16xi32>
    %add3A_17 = vector.broadcast %add3A_16 : i32 to vector<16xi32>
    %add3A_18 = arith.addi %add3A_17, %iota3A : vector<16xi32>
    %add3A_19 = arith.constant 0 : i32
    %add3A_20 = arith.addi %mul3A_4, %add3A_19 : i32
    %iota3A_21 = tpu.iota {dimensions = array<i32: 0>} : vector<16xi32>
    %add3A_22 = vector.broadcast %add3A_20 : i32 to vector<16xi32>
    %add3A_23 = arith.addi %add3A_22, %iota3A_21 : vector<16xi32>
    %add3A_24 = arith.addi %get3A_11, %get3A_14 : vector<16xi32>
    %mul3A_25 = arith.constant 4096 : i32
    %mul3A_26 = vector.broadcast %mul3A_25 : i32 to vector<16xi32>
    %mul3A_27 = arith.muli %add3A_24, %mul3A_26 : vector<16xi32>
    %add3A_28 = arith.addi %mul3A_27, %add3A_18 : vector<16xi32>
    %swap3A = arith.constant 0 : i32
    %swap3A_29 = arith.index_cast %swap3A : i32 to index
    %swap3A_30 = arith.constant 0 : index
    %swap3A_31 = tpu.vector_load %arg9[%swap3A_29, %swap3A_30] {strides = array<i32>} : memref<4x32xi32, #tpu.memory_space<vmem>>, vector<1x16xi32>,
    %swap3A_32 = vector.shape_cast %swap3A_31 : vector<1x16xi32> to vector<16xi32>
    %swap3A_33 = vector.shape_cast %add3A_28 : vector<16xi32> to vector<1x16xi32>
    tpu.vector_store %arg9[%swap3A_29, %swap3A_30], %swap3A_33 {strides = array<i32>} : memref<4x32xi32, #tpu.memory_space<vmem>>, vector<1x16xi32>,
    %eq3A = arith.constant 1 : i32
    %eq3A_34 = vector.broadcast %eq3A : i32 to vector<16xi32>
    %eq3A_35 = arith.cmpi eq, %get3A_14, %eq3A_34 : vector<16xi32>
    %broadcast_in_dim3A = vector.broadcast %add3A_9 : i32 to vector<16xi32>
    %select_n3A = arith.select %eq3A_35, %broadcast_in_dim3A, %add3A_23 : vector<16xi1>, vector<16xi32>
    %swap3A_36 = arith.constant 0 : i32
    %swap3A_37 = arith.index_cast %swap3A_36 : i32 to index
    %swap3A_38 = arith.constant 0 : index
    %swap3A_39 = tpu.vector_load %arg10[%swap3A_37, %swap3A_38] {strides = array<i32>} : memref<4x32xi32, #tpu.memory_space<vmem>>, vector<1x16xi32>,
    %swap3A_40 = vector.shape_cast %swap3A_39 : vector<1x16xi32> to vector<16xi32>
    %swap3A_41 = vector.shape_cast %select_n3A : vector<16xi32> to vector<1x16xi32>
    tpu.vector_store %arg10[%swap3A_37, %swap3A_38], %swap3A_41 {strides = array<i32>} : memref<4x32xi32, #tpu.memory_space<vmem>>, vector<1x16xi32>,
    %get3A_42 = arith.constant 16 : index
    %get3A_43 = tpu.vector_load %arg7[%get3A_42] {strides = array<i32>} : memref<128xi32, #tpu.memory_space<vmem>>, vector<16xi32>,
    %get3A_44 = vector.shape_cast %get3A_43 : vector<16xi32> to vector<16xi32>
    %get3A_45 = arith.constant 16 : index
    %get3A_46 = tpu.vector_load %arg8[%get3A_45] {strides = array<i32>} : memref<128xi32, #tpu.memory_space<vmem>>, vector<16xi32>,
    %get3A_47 = vector.shape_cast %get3A_46 : vector<16xi32> to vector<16xi32>
    %add3A_48 = arith.constant 16 : i32
    %add3A_49 = arith.addi %mul3A_2, %add3A_48 : i32
    %iota3A_50 = tpu.iota {dimensions = array<i32: 0>} : vector<16xi32>
    %add3A_51 = vector.broadcast %add3A_49 : i32 to vector<16xi32>
    %add3A_52 = arith.addi %add3A_51, %iota3A_50 : vector<16xi32>
    %add3A_53 = arith.constant 16 : i32
    %add3A_54 = arith.addi %mul3A_4, %add3A_53 : i32
    %iota3A_55 = tpu.iota {dimensions = array<i32: 0>} : vector<16xi32>
    %add3A_56 = vector.broadcast %add3A_54 : i32 to vector<16xi32>
    %add3A_57 = arith.addi %add3A_56, %iota3A_55 : vector<16xi32>
    %add3A_58 = arith.addi %get3A_44, %get3A_47 : vector<16xi32>
    %mul3A_59 = arith.constant 4096 : i32
    %mul3A_60 = vector.broadcast %mul3A_59 : i32 to vector<16xi32>
    %mul3A_61 = arith.muli %add3A_58, %mul3A_60 : vector<16xi32>
    %add3A_62 = arith.addi %mul3A_61, %add3A_52 : vector<16xi32>
    %swap3A_63 = arith.constant 0 : i32
    %swap3A_64 = arith.index_cast %swap3A_63 : i32 to index
    %swap3A_65 = arith.constant 16 : index
    %swap3A_66 = tpu.vector_load %arg9[%swap3A_64, %swap3A_65] {strides = array<i32>} : memref<4x32xi32, #tpu.memory_space<vmem>>, vector<1x16xi32>,
    %swap3A_67 = vector.shape_cast %swap3A_66 : vector<1x16xi32> to vector<16xi32>
    %swap3A_68 = vector.shape_cast %add3A_62 : vector<16xi32> to vector<1x16xi32>
    tpu.vector_store %arg9[%swap3A_64, %swap3A_65], %swap3A_68 {strides = array<i32>} : memref<4x32xi32, #tpu.memory_space<vmem>>, vector<1x16xi32>,
    %eq3A_69 = arith.constant 1 : i32
    %eq3A_70 = vector.broadcast %eq3A_69 : i32 to vector<16xi32>
    %eq3A_71 = arith.cmpi eq, %get3A_47, %eq3A_70 : vector<16xi32>
    %broadcast_in_dim3A_72 = vector.broadcast %add3A_9 : i32 to vector<16xi32>
    %select_n3A_73 = arith.select %eq3A_71, %broadcast_in_dim3A_72, %add3A_57 : vector<16xi1>, vector<16xi32>
    %swap3A_74 = arith.constant 0 : i32
    %swap3A_75 = arith.index_cast %swap3A_74 : i32 to index
    %swap3A_76 = arith.constant 16 : index
    %swap3A_77 = tpu.vector_load %arg10[%swap3A_75, %swap3A_76] {strides = array<i32>} : memref<4x32xi32, #tpu.memory_space<vmem>>, vector<1x16xi32>,
    %swap3A_78 = vector.shape_cast %swap3A_77 : vector<1x16xi32> to vector<16xi32>
    %swap3A_79 = vector.shape_cast %select_n3A_73 : vector<16xi32> to vector<1x16xi32>
    tpu.vector_store %arg10[%swap3A_75, %swap3A_76], %swap3A_79 {strides = array<i32>} : memref<4x32xi32, #tpu.memory_space<vmem>>, vector<1x16xi32>,
    %get3A_80 = arith.constant 32 : index
    %get3A_81 = tpu.vector_load %arg7[%get3A_80] {strides = array<i32>} : memref<128xi32, #tpu.memory_space<vmem>>, vector<16xi32>,
    %get3A_82 = vector.shape_cast %get3A_81 : vector<16xi32> to vector<16xi32>
    %get3A_83 = arith.constant 32 : index
    %get3A_84 = tpu.vector_load %arg8[%get3A_83] {strides = array<i32>} : memref<128xi32, #tpu.memory_space<vmem>>, vector<16xi32>,
    %get3A_85 = vector.shape_cast %get3A_84 : vector<16xi32> to vector<16xi32>
    %add3A_86 = arith.constant 32 : i32
    %add3A_87 = arith.addi %mul3A_2, %add3A_86 : i32
    %iota3A_88 = tpu.iota {dimensions = array<i32: 0>} : vector<16xi32>
    %add3A_89 = vector.broadcast %add3A_87 : i32 to vector<16xi32>
    %add3A_90 = arith.addi %add3A_89, %iota3A_88 : vector<16xi32>
    %add3A_91 = arith.constant 32 : i32
    %add3A_92 = arith.addi %mul3A_4, %add3A_91 : i32
    %iota3A_93 = tpu.iota {dimensions = array<i32: 0>} : vector<16xi32>
    %add3A_94 = vector.broadcast %add3A_92 : i32 to vector<16xi32>
    %add3A_95 = arith.addi %add3A_94, %iota3A_93 : vector<16xi32>
    %add3A_96 = arith.addi %get3A_82, %get3A_85 : vector<16xi32>
    %mul3A_97 = arith.constant 4096 : i32
    %mul3A_98 = vector.broadcast %mul3A_97 : i32 to vector<16xi32>
    %mul3A_99 = arith.muli %add3A_96, %mul3A_98 : vector<16xi32>
    %add3A_100 = arith.addi %mul3A_99, %add3A_90 : vector<16xi32>
    %swap3A_101 = arith.constant 1 : i32
    %swap3A_102 = arith.index_cast %swap3A_101 : i32 to index
    %swap3A_103 = arith.constant 0 : index
    %swap3A_104 = tpu.vector_load %arg9[%swap3A_102, %swap3A_103] {strides = array<i32>} : memref<4x32xi32, #tpu.memory_space<vmem>>, vector<1x16xi32>,
    %swap3A_105 = vector.shape_cast %swap3A_104 : vector<1x16xi32> to vector<16xi32>
    %swap3A_106 = vector.shape_cast %add3A_100 : vector<16xi32> to vector<1x16xi32>
    tpu.vector_store %arg9[%swap3A_102, %swap3A_103], %swap3A_106 {strides = array<i32>} : memref<4x32xi32, #tpu.memory_space<vmem>>, vector<1x16xi32>,
    %eq3A_107 = arith.constant 1 : i32
    %eq3A_108 = vector.broadcast %eq3A_107 : i32 to vector<16xi32>
    %eq3A_109 = arith.cmpi eq, %get3A_85, %eq3A_108 : vector<16xi32>
    %broadcast_in_dim3A_110 = vector.broadcast %add3A_9 : i32 to vector<16xi32>
    %select_n3A_111 = arith.select %eq3A_109, %broadcast_in_dim3A_110, %add3A_95 : vector<16xi1>, vector<16xi32>
    %swap3A_112 = arith.constant 1 : i32
    %swap3A_113 = arith.index_cast %swap3A_112 : i32 to index
    %swap3A_114 = arith.constant 0 : index
    %swap3A_115 = tpu.vector_load %arg10[%swap3A_113, %swap3A_114] {strides = array<i32>} : memref<4x32xi32, #tpu.memory_space<vmem>>, vector<1x16xi32>,
    %swap3A_116 = vector.shape_cast %swap3A_115 : vector<1x16xi32> to vector<16xi32>
    %swap3A_117 = vector.shape_cast %select_n3A_111 : vector<16xi32> to vector<1x16xi32>
    tpu.vector_store %arg10[%swap3A_113, %swap3A_114], %swap3A_117 {strides = array<i32>} : memref<4x32xi32, #tpu.memory_space<vmem>>, vector<1x16xi32>,
    %get3A_118 = arith.constant 48 : index
    %get3A_119 = tpu.vector_load %arg7[%get3A_118] {strides = array<i32>} : memref<128xi32, #tpu.memory_space<vmem>>, vector<16xi32>,
    %get3A_120 = vector.shape_cast %get3A_119 : vector<16xi32> to vector<16xi32>
    %get3A_121 = arith.constant 48 : index
    %get3A_122 = tpu.vector_load %arg8[%get3A_121] {strides = array<i32>} : memref<128xi32, #tpu.memory_space<vmem>>, vector<16xi32>,
    %get3A_123 = vector.shape_cast %get3A_122 : vector<16xi32> to vector<16xi32>
    %add3A_124 = arith.constant 48 : i32
    %add3A_125 = arith.addi %mul3A_2, %add3A_124 : i32
    %iota3A_126 = tpu.iota {dimensions = array<i32: 0>} : vector<16xi32>
    %add3A_127 = vector.broadcast %add3A_125 : i32 to vector<16xi32>
    %add3A_128 = arith.addi %add3A_127, %iota3A_126 : vector<16xi32>
    %add3A_129 = arith.constant 48 : i32
    %add3A_130 = arith.addi %mul3A_4, %add3A_129 : i32
    %iota3A_131 = tpu.iota {dimensions = array<i32: 0>} : vector<16xi32>
    %add3A_132 = vector.broadcast %add3A_130 : i32 to vector<16xi32>
    %add3A_133 = arith.addi %add3A_132, %iota3A_131 : vector<16xi32>
    %add3A_134 = arith.addi %get3A_120, %get3A_123 : vector<16xi32>
    %mul3A_135 = arith.constant 4096 : i32
    %mul3A_136 = vector.broadcast %mul3A_135 : i32 to vector<16xi32>
    %mul3A_137 = arith.muli %add3A_134, %mul3A_136 : vector<16xi32>
    %add3A_138 = arith.addi %mul3A_137, %add3A_128 : vector<16xi32>
    %swap3A_139 = arith.constant 1 : i32
    %swap3A_140 = arith.index_cast %swap3A_139 : i32 to index
    %swap3A_141 = arith.constant 16 : index
    %swap3A_142 = tpu.vector_load %arg9[%swap3A_140, %swap3A_141] {strides = array<i32>} : memref<4x32xi32, #tpu.memory_space<vmem>>, vector<1x16xi32>,
    %swap3A_143 = vector.shape_cast %swap3A_142 : vector<1x16xi32> to vector<16xi32>
    %swap3A_144 = vector.shape_cast %add3A_138 : vector<16xi32> to vector<1x16xi32>
    tpu.vector_store %arg9[%swap3A_140, %swap3A_141], %swap3A_144 {strides = array<i32>} : memref<4x32xi32, #tpu.memory_space<vmem>>, vector<1x16xi32>,
    %eq3A_145 = arith.constant 1 : i32
    %eq3A_146 = vector.broadcast %eq3A_145 : i32 to vector<16xi32>
    %eq3A_147 = arith.cmpi eq, %get3A_123, %eq3A_146 : vector<16xi32>
    %broadcast_in_dim3A_148 = vector.broadcast %add3A_9 : i32 to vector<16xi32>
    %select_n3A_149 = arith.select %eq3A_147, %broadcast_in_dim3A_148, %add3A_133 : vector<16xi1>, vector<16xi32>
    %swap3A_150 = arith.constant 1 : i32
    %swap3A_151 = arith.index_cast %swap3A_150 : i32 to index
    %swap3A_152 = arith.constant 16 : index
    %swap3A_153 = tpu.vector_load %arg10[%swap3A_151, %swap3A_152] {strides = array<i32>} : memref<4x32xi32, #tpu.memory_space<vmem>>, vector<1x16xi32>,
    %swap3A_154 = vector.shape_cast %swap3A_153 : vector<1x16xi32> to vector<16xi32>
    %swap3A_155 = vector.shape_cast %select_n3A_149 : vector<16xi32> to vector<1x16xi32>
    tpu.vector_store %arg10[%swap3A_151, %swap3A_152], %swap3A_155 {strides = array<i32>} : memref<4x32xi32, #tpu.memory_space<vmem>>, vector<1x16xi32>,
    %get3A_156 = arith.constant 64 : index
    %get3A_157 = tpu.vector_load %arg7[%get3A_156] {strides = array<i32>} : memref<128xi32, #tpu.memory_space<vmem>>, vector<16xi32>,
    %get3A_158 = vector.shape_cast %get3A_157 : vector<16xi32> to vector<16xi32>
    %get3A_159 = arith.constant 64 : index
    %get3A_160 = tpu.vector_load %arg8[%get3A_159] {strides = array<i32>} : memref<128xi32, #tpu.memory_space<vmem>>, vector<16xi32>,
    %get3A_161 = vector.shape_cast %get3A_160 : vector<16xi32> to vector<16xi32>
    %add3A_162 = arith.constant 64 : i32
    %add3A_163 = arith.addi %mul3A_2, %add3A_162 : i32
    %iota3A_164 = tpu.iota {dimensions = array<i32: 0>} : vector<16xi32>
    %add3A_165 = vector.broadcast %add3A_163 : i32 to vector<16xi32>
    %add3A_166 = arith.addi %add3A_165, %iota3A_164 : vector<16xi32>
    %add3A_167 = arith.constant 64 : i32
    %add3A_168 = arith.addi %mul3A_4, %add3A_167 : i32
    %iota3A_169 = tpu.iota {dimensions = array<i32: 0>} : vector<16xi32>
    %add3A_170 = vector.broadcast %add3A_168 : i32 to vector<16xi32>
    %add3A_171 = arith.addi %add3A_170, %iota3A_169 : vector<16xi32>
    %add3A_172 = arith.addi %get3A_158, %get3A_161 : vector<16xi32>
    %mul3A_173 = arith.constant 4096 : i32
    %mul3A_174 = vector.broadcast %mul3A_173 : i32 to vector<16xi32>
    %mul3A_175 = arith.muli %add3A_172, %mul3A_174 : vector<16xi32>
    %add3A_176 = arith.addi %mul3A_175, %add3A_166 : vector<16xi32>
    %swap3A_177 = arith.constant 2 : i32
    %swap3A_178 = arith.index_cast %swap3A_177 : i32 to index
    %swap3A_179 = arith.constant 0 : index
    %swap3A_180 = tpu.vector_load %arg9[%swap3A_178, %swap3A_179] {strides = array<i32>} : memref<4x32xi32, #tpu.memory_space<vmem>>, vector<1x16xi32>,
    %swap3A_181 = vector.shape_cast %swap3A_180 : vector<1x16xi32> to vector<16xi32>
    %swap3A_182 = vector.shape_cast %add3A_176 : vector<16xi32> to vector<1x16xi32>
    tpu.vector_store %arg9[%swap3A_178, %swap3A_179], %swap3A_182 {strides = array<i32>} : memref<4x32xi32, #tpu.memory_space<vmem>>, vector<1x16xi32>,
    %eq3A_183 = arith.constant 1 : i32
    %eq3A_184 = vector.broadcast %eq3A_183 : i32 to vector<16xi32>
    %eq3A_185 = arith.cmpi eq, %get3A_161, %eq3A_184 : vector<16xi32>
    %broadcast_in_dim3A_186 = vector.broadcast %add3A_9 : i32 to vector<16xi32>
    %select_n3A_187 = arith.select %eq3A_185, %broadcast_in_dim3A_186, %add3A_171 : vector<16xi1>, vector<16xi32>
    %swap3A_188 = arith.constant 2 : i32
    %swap3A_189 = arith.index_cast %swap3A_188 : i32 to index
    %swap3A_190 = arith.constant 0 : index
    %swap3A_191 = tpu.vector_load %arg10[%swap3A_189, %swap3A_190] {strides = array<i32>} : memref<4x32xi32, #tpu.memory_space<vmem>>, vector<1x16xi32>,
    %swap3A_192 = vector.shape_cast %swap3A_191 : vector<1x16xi32> to vector<16xi32>
    %swap3A_193 = vector.shape_cast %select_n3A_187 : vector<16xi32> to vector<1x16xi32>
    tpu.vector_store %arg10[%swap3A_189, %swap3A_190], %swap3A_193 {strides = array<i32>} : memref<4x32xi32, #tpu.memory_space<vmem>>, vector<1x16xi32>,
    %get3A_194 = arith.constant 80 : index
    %get3A_195 = tpu.vector_load %arg7[%get3A_194] {strides = array<i32>} : memref<128xi32, #tpu.memory_space<vmem>>, vector<16xi32>,
    %get3A_196 = vector.shape_cast %get3A_195 : vector<16xi32> to vector<16xi32>
    %get3A_197 = arith.constant 80 : index
    %get3A_198 = tpu.vector_load %arg8[%get3A_197] {strides = array<i32>} : memref<128xi32, #tpu.memory_space<vmem>>, vector<16xi32>,
    %get3A_199 = vector.shape_cast %get3A_198 : vector<16xi32> to vector<16xi32>
    %add3A_200 = arith.constant 80 : i32
    %add3A_201 = arith.addi %mul3A_2, %add3A_200 : i32
    %iota3A_202 = tpu.iota {dimensions = array<i32: 0>} : vector<16xi32>
    %add3A_203 = vector.broadcast %add3A_201 : i32 to vector<16xi32>
    %add3A_204 = arith.addi %add3A_203, %iota3A_202 : vector<16xi32>
    %add3A_205 = arith.constant 80 : i32
    %add3A_206 = arith.addi %mul3A_4, %add3A_205 : i32
    %iota3A_207 = tpu.iota {dimensions = array<i32: 0>} : vector<16xi32>
    %add3A_208 = vector.broadcast %add3A_206 : i32 to vector<16xi32>
    %add3A_209 = arith.addi %add3A_208, %iota3A_207 : vector<16xi32>
    %add3A_210 = arith.addi %get3A_196, %get3A_199 : vector<16xi32>
    %mul3A_211 = arith.constant 4096 : i32
    %mul3A_212 = vector.broadcast %mul3A_211 : i32 to vector<16xi32>
    %mul3A_213 = arith.muli %add3A_210, %mul3A_212 : vector<16xi32>
    %add3A_214 = arith.addi %mul3A_213, %add3A_204 : vector<16xi32>
    %swap3A_215 = arith.constant 2 : i32
    %swap3A_216 = arith.index_cast %swap3A_215 : i32 to index
    %swap3A_217 = arith.constant 16 : index
    %swap3A_218 = tpu.vector_load %arg9[%swap3A_216, %swap3A_217] {strides = array<i32>} : memref<4x32xi32, #tpu.memory_space<vmem>>, vector<1x16xi32>,
    %swap3A_219 = vector.shape_cast %swap3A_218 : vector<1x16xi32> to vector<16xi32>
    %swap3A_220 = vector.shape_cast %add3A_214 : vector<16xi32> to vector<1x16xi32>
    tpu.vector_store %arg9[%swap3A_216, %swap3A_217], %swap3A_220 {strides = array<i32>} : memref<4x32xi32, #tpu.memory_space<vmem>>, vector<1x16xi32>,
    %eq3A_221 = arith.constant 1 : i32
    %eq3A_222 = vector.broadcast %eq3A_221 : i32 to vector<16xi32>
    %eq3A_223 = arith.cmpi eq, %get3A_199, %eq3A_222 : vector<16xi32>
    %broadcast_in_dim3A_224 = vector.broadcast %add3A_9 : i32 to vector<16xi32>
    %select_n3A_225 = arith.select %eq3A_223, %broadcast_in_dim3A_224, %add3A_209 : vector<16xi1>, vector<16xi32>
    %swap3A_226 = arith.constant 2 : i32
    %swap3A_227 = arith.index_cast %swap3A_226 : i32 to index
    %swap3A_228 = arith.constant 16 : index
    %swap3A_229 = tpu.vector_load %arg10[%swap3A_227, %swap3A_228] {strides = array<i32>} : memref<4x32xi32, #tpu.memory_space<vmem>>, vector<1x16xi32>,
    %swap3A_230 = vector.shape_cast %swap3A_229 : vector<1x16xi32> to vector<16xi32>
    %swap3A_231 = vector.shape_cast %select_n3A_225 : vector<16xi32> to vector<1x16xi32>
    tpu.vector_store %arg10[%swap3A_227, %swap3A_228], %swap3A_231 {strides = array<i32>} : memref<4x32xi32, #tpu.memory_space<vmem>>, vector<1x16xi32>,
    %get3A_232 = arith.constant 96 : index
    %get3A_233 = tpu.vector_load %arg7[%get3A_232] {strides = array<i32>} : memref<128xi32, #tpu.memory_space<vmem>>, vector<16xi32>,
    %get3A_234 = vector.shape_cast %get3A_233 : vector<16xi32> to vector<16xi32>
    %get3A_235 = arith.constant 96 : index
    %get3A_236 = tpu.vector_load %arg8[%get3A_235] {strides = array<i32>} : memref<128xi32, #tpu.memory_space<vmem>>, vector<16xi32>,
    %get3A_237 = vector.shape_cast %get3A_236 : vector<16xi32> to vector<16xi32>
    %add3A_238 = arith.constant 96 : i32
    %add3A_239 = arith.addi %mul3A_2, %add3A_238 : i32
    %iota3A_240 = tpu.iota {dimensions = array<i32: 0>} : vector<16xi32>
    %add3A_241 = vector.broadcast %add3A_239 : i32 to vector<16xi32>
    %add3A_242 = arith.addi %add3A_241, %iota3A_240 : vector<16xi32>
    %add3A_243 = arith.constant 96 : i32
    %add3A_244 = arith.addi %mul3A_4, %add3A_243 : i32
    %iota3A_245 = tpu.iota {dimensions = array<i32: 0>} : vector<16xi32>
    %add3A_246 = vector.broadcast %add3A_244 : i32 to vector<16xi32>
    %add3A_247 = arith.addi %add3A_246, %iota3A_245 : vector<16xi32>
    %add3A_248 = arith.addi %get3A_234, %get3A_237 : vector<16xi32>
    %mul3A_249 = arith.constant 4096 : i32
    %mul3A_250 = vector.broadcast %mul3A_249 : i32 to vector<16xi32>
    %mul3A_251 = arith.muli %add3A_248, %mul3A_250 : vector<16xi32>
    %add3A_252 = arith.addi %mul3A_251, %add3A_242 : vector<16xi32>
    %swap3A_253 = arith.constant 3 : i32
    %swap3A_254 = arith.index_cast %swap3A_253 : i32 to index
    %swap3A_255 = arith.constant 0 : index
    %swap3A_256 = tpu.vector_load %arg9[%swap3A_254, %swap3A_255] {strides = array<i32>} : memref<4x32xi32, #tpu.memory_space<vmem>>, vector<1x16xi32>,
    %swap3A_257 = vector.shape_cast %swap3A_256 : vector<1x16xi32> to vector<16xi32>
    %swap3A_258 = vector.shape_cast %add3A_252 : vector<16xi32> to vector<1x16xi32>
    tpu.vector_store %arg9[%swap3A_254, %swap3A_255], %swap3A_258 {strides = array<i32>} : memref<4x32xi32, #tpu.memory_space<vmem>>, vector<1x16xi32>,
    %eq3A_259 = arith.constant 1 : i32
    %eq3A_260 = vector.broadcast %eq3A_259 : i32 to vector<16xi32>
    %eq3A_261 = arith.cmpi eq, %get3A_237, %eq3A_260 : vector<16xi32>
    %broadcast_in_dim3A_262 = vector.broadcast %add3A_9 : i32 to vector<16xi32>
    %select_n3A_263 = arith.select %eq3A_261, %broadcast_in_dim3A_262, %add3A_247 : vector<16xi1>, vector<16xi32>
    %swap3A_264 = arith.constant 3 : i32
    %swap3A_265 = arith.index_cast %swap3A_264 : i32 to index
    %swap3A_266 = arith.constant 0 : index
    %swap3A_267 = tpu.vector_load %arg10[%swap3A_265, %swap3A_266] {strides = array<i32>} : memref<4x32xi32, #tpu.memory_space<vmem>>, vector<1x16xi32>,
    %swap3A_268 = vector.shape_cast %swap3A_267 : vector<1x16xi32> to vector<16xi32>
    %swap3A_269 = vector.shape_cast %select_n3A_263 : vector<16xi32> to vector<1x16xi32>
    tpu.vector_store %arg10[%swap3A_265, %swap3A_266], %swap3A_269 {strides = array<i32>} : memref<4x32xi32, #tpu.memory_space<vmem>>, vector<1x16xi32>,
    %get3A_270 = arith.constant 112 : index
    %get3A_271 = tpu.vector_load %arg7[%get3A_270] {strides = array<i32>} : memref<128xi32, #tpu.memory_space<vmem>>, vector<16xi32>,
    %get3A_272 = vector.shape_cast %get3A_271 : vector<16xi32> to vector<16xi32>
    %get3A_273 = arith.constant 112 : index
    %get3A_274 = tpu.vector_load %arg8[%get3A_273] {strides = array<i32>} : memref<128xi32, #tpu.memory_space<vmem>>, vector<16xi32>,
    %get3A_275 = vector.shape_cast %get3A_274 : vector<16xi32> to vector<16xi32>
    %add3A_276 = arith.constant 112 : i32
    %add3A_277 = arith.addi %mul3A_2, %add3A_276 : i32
    %iota3A_278 = tpu.iota {dimensions = array<i32: 0>} : vector<16xi32>
    %add3A_279 = vector.broadcast %add3A_277 : i32 to vector<16xi32>
    %add3A_280 = arith.addi %add3A_279, %iota3A_278 : vector<16xi32>
    %add3A_281 = arith.constant 112 : i32
    %add3A_282 = arith.addi %mul3A_4, %add3A_281 : i32
    %iota3A_283 = tpu.iota {dimensions = array<i32: 0>} : vector<16xi32>
    %add3A_284 = vector.broadcast %add3A_282 : i32 to vector<16xi32>
    %add3A_285 = arith.addi %add3A_284, %iota3A_283 : vector<16xi32>
    %add3A_286 = arith.addi %get3A_272, %get3A_275 : vector<16xi32>
    %mul3A_287 = arith.constant 4096 : i32
    %mul3A_288 = vector.broadcast %mul3A_287 : i32 to vector<16xi32>
    %mul3A_289 = arith.muli %add3A_286, %mul3A_288 : vector<16xi32>
    %add3A_290 = arith.addi %mul3A_289, %add3A_280 : vector<16xi32>
    %swap3A_291 = arith.constant 3 : i32
    %swap3A_292 = arith.index_cast %swap3A_291 : i32 to index
    %swap3A_293 = arith.constant 16 : index
    %swap3A_294 = tpu.vector_load %arg9[%swap3A_292, %swap3A_293] {strides = array<i32>} : memref<4x32xi32, #tpu.memory_space<vmem>>, vector<1x16xi32>,
    %swap3A_295 = vector.shape_cast %swap3A_294 : vector<1x16xi32> to vector<16xi32>
    %swap3A_296 = vector.shape_cast %add3A_290 : vector<16xi32> to vector<1x16xi32>
    tpu.vector_store %arg9[%swap3A_292, %swap3A_293], %swap3A_296 {strides = array<i32>} : memref<4x32xi32, #tpu.memory_space<vmem>>, vector<1x16xi32>,
    %eq3A_297 = arith.constant 1 : i32
    %eq3A_298 = vector.broadcast %eq3A_297 : i32 to vector<16xi32>
    %eq3A_299 = arith.cmpi eq, %get3A_275, %eq3A_298 : vector<16xi32>
    %broadcast_in_dim3A_300 = vector.broadcast %add3A_9 : i32 to vector<16xi32>
    %select_n3A_301 = arith.select %eq3A_299, %broadcast_in_dim3A_300, %add3A_285 : vector<16xi1>, vector<16xi32>
    %swap3A_302 = arith.constant 3 : i32
    %swap3A_303 = arith.index_cast %swap3A_302 : i32 to index
    %swap3A_304 = arith.constant 16 : index
    %swap3A_305 = tpu.vector_load %arg10[%swap3A_303, %swap3A_304] {strides = array<i32>} : memref<4x32xi32, #tpu.memory_space<vmem>>, vector<1x16xi32>,
    %swap3A_306 = vector.shape_cast %swap3A_305 : vector<1x16xi32> to vector<16xi32>
    %swap3A_307 = vector.shape_cast %select_n3A_301 : vector<16xi32> to vector<1x16xi32>
    tpu.vector_store %arg10[%swap3A_303, %swap3A_304], %swap3A_307 {strides = array<i32>} : memref<4x32xi32, #tpu.memory_space<vmem>>, vector<1x16xi32>,
    %dma_start3A_308 = arith.constant 0 : i32
    %dma_start3A_309 = arith.constant 0 : i32
    %dma_start3A_310 = arith.constant 0 : i32
    %dma_start3A_311 = tpu.memref_slice %arg11[%dma_start3A_309, %dma_start3A_310] : memref<128x128xf32, #tpu.memory_space<vmem>> -> memref<32x128xf32, #tpu.memory_space<vmem>>
    %dma_start3A_312 = arith.constant 0 : i32
    %dma_start3A_313 = tpu.memref_slice %arg9[%dma_start3A_308, %dma_start3A_312] : memref<4x32xi32, #tpu.memory_space<vmem>> -> memref<1x32xi32, #tpu.memory_space<vmem>>
    %dma_start3A_314 = tpu.memref_squeeze %dma_start3A_313 : memref<1x32xi32, #tpu.memory_space<vmem>> -> memref<32xi32, #tpu.memory_space<vmem>>
    %dma_start3A_315 = arith.constant 0 : i32
    %dma_start3A_316 = arith.constant 0 : i32
    %dma_start3A_317 = tpu.memref_slice %arg3[%dma_start3A_315, %dma_start3A_316] : memref<827392x128xf32, #tpu.memory_space<hbm>> -> memref<827392x128xf32, #tpu.memory_space<hbm>>
    tpu.enqueue_indirect_dma source(%dma_start3A_317 : memref<827392x128xf32, #tpu.memory_space<hbm>>) target(%dma_start3A_311 : memref<32x128xf32, #tpu.memory_space<vmem>>) offsets(%dma_start3A_314 : memref<32xi32, #tpu.memory_space<vmem>>) semaphore(%arg14 : memref<!tpu.dma_semaphore, #tpu.memory_space<semaphore_mem>>)
    %dma_start3A_318 = arith.constant 1 : i32
    %dma_start3A_319 = arith.constant 32 : i32
    %dma_start3A_320 = arith.constant 0 : i32
    %dma_start3A_321 = tpu.memref_slice %arg11[%dma_start3A_319, %dma_start3A_320] : memref<128x128xf32, #tpu.memory_space<vmem>> -> memref<32x128xf32, #tpu.memory_space<vmem>>
    %dma_start3A_322 = arith.constant 0 : i32
    %dma_start3A_323 = tpu.memref_slice %arg9[%dma_start3A_318, %dma_start3A_322] : memref<4x32xi32, #tpu.memory_space<vmem>> -> memref<1x32xi32, #tpu.memory_space<vmem>>
    %dma_start3A_324 = tpu.memref_squeeze %dma_start3A_323 : memref<1x32xi32, #tpu.memory_space<vmem>> -> memref<32xi32, #tpu.memory_space<vmem>>
    %dma_start3A_325 = arith.constant 0 : i32
    %dma_start3A_326 = arith.constant 0 : i32
    %dma_start3A_327 = tpu.memref_slice %arg3[%dma_start3A_325, %dma_start3A_326] : memref<827392x128xf32, #tpu.memory_space<hbm>> -> memref<827392x128xf32, #tpu.memory_space<hbm>>
    tpu.enqueue_indirect_dma source(%dma_start3A_327 : memref<827392x128xf32, #tpu.memory_space<hbm>>) target(%dma_start3A_321 : memref<32x128xf32, #tpu.memory_space<vmem>>) offsets(%dma_start3A_324 : memref<32xi32, #tpu.memory_space<vmem>>) semaphore(%arg15 : memref<!tpu.dma_semaphore, #tpu.memory_space<semaphore_mem>>)
    %dma_start3A_328 = arith.constant 2 : i32
    %dma_start3A_329 = arith.constant 64 : i32
    %dma_start3A_330 = arith.constant 0 : i32
    %dma_start3A_331 = tpu.memref_slice %arg11[%dma_start3A_329, %dma_start3A_330] : memref<128x128xf32, #tpu.memory_space<vmem>> -> memref<32x128xf32, #tpu.memory_space<vmem>>
    %dma_start3A_332 = arith.constant 0 : i32
    %dma_start3A_333 = tpu.memref_slice %arg9[%dma_start3A_328, %dma_start3A_332] : memref<4x32xi32, #tpu.memory_space<vmem>> -> memref<1x32xi32, #tpu.memory_space<vmem>>
    %dma_start3A_334 = tpu.memref_squeeze %dma_start3A_333 : memref<1x32xi32, #tpu.memory_space<vmem>> -> memref<32xi32, #tpu.memory_space<vmem>>
    %dma_start3A_335 = arith.constant 0 : i32
    %dma_start3A_336 = arith.constant 0 : i32
    %dma_start3A_337 = tpu.memref_slice %arg3[%dma_start3A_335, %dma_start3A_336] : memref<827392x128xf32, #tpu.memory_space<hbm>> -> memref<827392x128xf32, #tpu.memory_space<hbm>>
    tpu.enqueue_indirect_dma source(%dma_start3A_337 : memref<827392x128xf32, #tpu.memory_space<hbm>>) target(%dma_start3A_331 : memref<32x128xf32, #tpu.memory_space<vmem>>) offsets(%dma_start3A_334 : memref<32xi32, #tpu.memory_space<vmem>>) semaphore(%arg16 : memref<!tpu.dma_semaphore, #tpu.memory_space<semaphore_mem>>)
    %dma_start3A_338 = arith.constant 3 : i32
    %dma_start3A_339 = arith.constant 96 : i32
    %dma_start3A_340 = arith.constant 0 : i32
    %dma_start3A_341 = tpu.memref_slice %arg11[%dma_start3A_339, %dma_start3A_340] : memref<128x128xf32, #tpu.memory_space<vmem>> -> memref<32x128xf32, #tpu.memory_space<vmem>>
    %dma_start3A_342 = arith.constant 0 : i32
    %dma_start3A_343 = tpu.memref_slice %arg9[%dma_start3A_338, %dma_start3A_342] : memref<4x32xi32, #tpu.memory_space<vmem>> -> memref<1x32xi32, #tpu.memory_space<vmem>>
    %dma_start3A_344 = tpu.memref_squeeze %dma_start3A_343 : memref<1x32xi32, #tpu.memory_space<vmem>> -> memref<32xi32, #tpu.memory_space<vmem>>
    %dma_start3A_345 = arith.constant 0 : i32
    %dma_start3A_346 = arith.constant 0 : i32
    %dma_start3A_347 = tpu.memref_slice %arg3[%dma_start3A_345, %dma_start3A_346] : memref<827392x128xf32, #tpu.memory_space<hbm>> -> memref<827392x128xf32, #tpu.memory_space<hbm>>
    tpu.enqueue_indirect_dma source(%dma_start3A_347 : memref<827392x128xf32, #tpu.memory_space<hbm>>) target(%dma_start3A_341 : memref<32x128xf32, #tpu.memory_space<vmem>>) offsets(%dma_start3A_344 : memref<32xi32, #tpu.memory_space<vmem>>) semaphore(%arg17 : memref<!tpu.dma_semaphore, #tpu.memory_space<semaphore_mem>>)
    %dma_wait3A = arith.constant 0 : i32
    %dma_wait3A_348 = tpu.memref_slice %arg12[%mul3A_4, %dma_wait3A] : memref<2176x128xf32, #tpu.memory_space<vmem_shared>> -> memref<128x128xf32, #tpu.memory_space<vmem_shared>>
    %dma_wait3A_349 = arith.constant 0 : i32
    %dma_wait3A_350 = tpu.memref_slice %arg2[%mul3A_2, %dma_wait3A_349] : memref<4096x128xf32, #tpu.memory_space<hbm>> -> memref<128x128xf32, #tpu.memory_space<hbm>>
    tpu.wait_dma2 semaphore(%arg13 : memref<!tpu.dma_semaphore, #tpu.memory_space<semaphore_mem>>) src(%dma_wait3A_350 : memref<128x128xf32, #tpu.memory_space<hbm>>) dst(%dma_wait3A_348 : memref<128x128xf32, #tpu.memory_space<vmem_shared>>)
    %dma_wait3A_351 = arith.constant 0 : i32
    %dma_wait3A_352 = arith.constant 0 : i32
    %dma_wait3A_353 = arith.constant 0 : i32
    %dma_wait3A_354 = tpu.memref_slice %arg11[%dma_wait3A_352, %dma_wait3A_353] : memref<128x128xf32, #tpu.memory_space<vmem>> -> memref<32x128xf32, #tpu.memory_space<vmem>>
    %dma_wait3A_355 = arith.constant 0 : i32
    %dma_wait3A_356 = tpu.memref_slice %arg9[%dma_wait3A_351, %dma_wait3A_355] : memref<4x32xi32, #tpu.memory_space<vmem>> -> memref<1x32xi32, #tpu.memory_space<vmem>>
    %dma_wait3A_357 = tpu.memref_squeeze %dma_wait3A_356 : memref<1x32xi32, #tpu.memory_space<vmem>> -> memref<32xi32, #tpu.memory_space<vmem>>
    %dma_wait3A_358 = arith.constant 0 : i32
    %dma_wait3A_359 = arith.constant 0 : i32
    %dma_wait3A_360 = tpu.memref_slice %arg3[%dma_wait3A_358, %dma_wait3A_359] : memref<827392x128xf32, #tpu.memory_space<hbm>> -> memref<827392x128xf32, #tpu.memory_space<hbm>>
    tpu.wait_indirect_dma semaphore(%arg14 : memref<!tpu.dma_semaphore, #tpu.memory_space<semaphore_mem>>) src(%dma_wait3A_360 : memref<827392x128xf32, #tpu.memory_space<hbm>>) dst(%dma_wait3A_354 : memref<32x128xf32, #tpu.memory_space<vmem>>)
    %dma_start3A_361 = arith.constant 0 : i32
    %dma_start3A_362 = arith.constant 0 : i32
    %dma_start3A_363 = arith.constant 0 : i32
    %dma_start3A_364 = tpu.memref_slice %arg11[%dma_start3A_362, %dma_start3A_363] : memref<128x128xf32, #tpu.memory_space<vmem>> -> memref<32x128xf32, #tpu.memory_space<vmem>>
    %dma_start3A_365 = arith.constant 0 : i32
    %dma_start3A_366 = tpu.memref_slice %arg10[%dma_start3A_361, %dma_start3A_365] : memref<4x32xi32, #tpu.memory_space<vmem>> -> memref<1x32xi32, #tpu.memory_space<vmem>>
    %dma_start3A_367 = tpu.memref_squeeze %dma_start3A_366 : memref<1x32xi32, #tpu.memory_space<vmem>> -> memref<32xi32, #tpu.memory_space<vmem>>
    %dma_start3A_368 = arith.constant 0 : i32
    %dma_start3A_369 = arith.constant 0 : i32
    %dma_start3A_370 = tpu.memref_slice %arg12[%dma_start3A_368, %dma_start3A_369] : memref<2176x128xf32, #tpu.memory_space<vmem_shared>> -> memref<2176x128xf32, #tpu.memory_space<vmem_shared>>
    tpu.enqueue_indirect_dma source(%dma_start3A_364 : memref<32x128xf32, #tpu.memory_space<vmem>>) target(%dma_start3A_370 : memref<2176x128xf32, #tpu.memory_space<vmem_shared>>) offsets(%dma_start3A_367 : memref<32xi32, #tpu.memory_space<vmem>>) semaphore(%arg18 : memref<!tpu.dma_semaphore, #tpu.memory_space<semaphore_mem>>)
    %dma_wait3A_371 = arith.constant 1 : i32
    %dma_wait3A_372 = arith.constant 32 : i32
    %dma_wait3A_373 = arith.constant 0 : i32
    %dma_wait3A_374 = tpu.memref_slice %arg11[%dma_wait3A_372, %dma_wait3A_373] : memref<128x128xf32, #tpu.memory_space<vmem>> -> memref<32x128xf32, #tpu.memory_space<vmem>>
    %dma_wait3A_375 = arith.constant 0 : i32
    %dma_wait3A_376 = tpu.memref_slice %arg9[%dma_wait3A_371, %dma_wait3A_375] : memref<4x32xi32, #tpu.memory_space<vmem>> -> memref<1x32xi32, #tpu.memory_space<vmem>>
    %dma_wait3A_377 = tpu.memref_squeeze %dma_wait3A_376 : memref<1x32xi32, #tpu.memory_space<vmem>> -> memref<32xi32, #tpu.memory_space<vmem>>
    %dma_wait3A_378 = arith.constant 0 : i32
    %dma_wait3A_379 = arith.constant 0 : i32
    %dma_wait3A_380 = tpu.memref_slice %arg3[%dma_wait3A_378, %dma_wait3A_379] : memref<827392x128xf32, #tpu.memory_space<hbm>> -> memref<827392x128xf32, #tpu.memory_space<hbm>>
    tpu.wait_indirect_dma semaphore(%arg15 : memref<!tpu.dma_semaphore, #tpu.memory_space<semaphore_mem>>) src(%dma_wait3A_380 : memref<827392x128xf32, #tpu.memory_space<hbm>>) dst(%dma_wait3A_374 : memref<32x128xf32, #tpu.memory_space<vmem>>)
    %dma_start3A_381 = arith.constant 1 : i32
    %dma_start3A_382 = arith.constant 32 : i32
    %dma_start3A_383 = arith.constant 0 : i32
    %dma_start3A_384 = tpu.memref_slice %arg11[%dma_start3A_382, %dma_start3A_383] : memref<128x128xf32, #tpu.memory_space<vmem>> -> memref<32x128xf32, #tpu.memory_space<vmem>>
    %dma_start3A_385 = arith.constant 0 : i32
    %dma_start3A_386 = tpu.memref_slice %arg10[%dma_start3A_381, %dma_start3A_385] : memref<4x32xi32, #tpu.memory_space<vmem>> -> memref<1x32xi32, #tpu.memory_space<vmem>>
    %dma_start3A_387 = tpu.memref_squeeze %dma_start3A_386 : memref<1x32xi32, #tpu.memory_space<vmem>> -> memref<32xi32, #tpu.memory_space<vmem>>
    %dma_start3A_388 = arith.constant 0 : i32
    %dma_start3A_389 = arith.constant 0 : i32
    %dma_start3A_390 = tpu.memref_slice %arg12[%dma_start3A_388, %dma_start3A_389] : memref<2176x128xf32, #tpu.memory_space<vmem_shared>> -> memref<2176x128xf32, #tpu.memory_space<vmem_shared>>
    tpu.enqueue_indirect_dma source(%dma_start3A_384 : memref<32x128xf32, #tpu.memory_space<vmem>>) target(%dma_start3A_390 : memref<2176x128xf32, #tpu.memory_space<vmem_shared>>) offsets(%dma_start3A_387 : memref<32xi32, #tpu.memory_space<vmem>>) semaphore(%arg19 : memref<!tpu.dma_semaphore, #tpu.memory_space<semaphore_mem>>)
    %dma_wait3A_391 = arith.constant 2 : i32
    %dma_wait3A_392 = arith.constant 64 : i32
    %dma_wait3A_393 = arith.constant 0 : i32
    %dma_wait3A_394 = tpu.memref_slice %arg11[%dma_wait3A_392, %dma_wait3A_393] : memref<128x128xf32, #tpu.memory_space<vmem>> -> memref<32x128xf32, #tpu.memory_space<vmem>>
    %dma_wait3A_395 = arith.constant 0 : i32
    %dma_wait3A_396 = tpu.memref_slice %arg9[%dma_wait3A_391, %dma_wait3A_395] : memref<4x32xi32, #tpu.memory_space<vmem>> -> memref<1x32xi32, #tpu.memory_space<vmem>>
    %dma_wait3A_397 = tpu.memref_squeeze %dma_wait3A_396 : memref<1x32xi32, #tpu.memory_space<vmem>> -> memref<32xi32, #tpu.memory_space<vmem>>
    %dma_wait3A_398 = arith.constant 0 : i32
    %dma_wait3A_399 = arith.constant 0 : i32
    %dma_wait3A_400 = tpu.memref_slice %arg3[%dma_wait3A_398, %dma_wait3A_399] : memref<827392x128xf32, #tpu.memory_space<hbm>> -> memref<827392x128xf32, #tpu.memory_space<hbm>>
    tpu.wait_indirect_dma semaphore(%arg16 : memref<!tpu.dma_semaphore, #tpu.memory_space<semaphore_mem>>) src(%dma_wait3A_400 : memref<827392x128xf32, #tpu.memory_space<hbm>>) dst(%dma_wait3A_394 : memref<32x128xf32, #tpu.memory_space<vmem>>)
    %dma_start3A_401 = arith.constant 2 : i32
    %dma_start3A_402 = arith.constant 64 : i32
    %dma_start3A_403 = arith.constant 0 : i32
    %dma_start3A_404 = tpu.memref_slice %arg11[%dma_start3A_402, %dma_start3A_403] : memref<128x128xf32, #tpu.memory_space<vmem>> -> memref<32x128xf32, #tpu.memory_space<vmem>>
    %dma_start3A_405 = arith.constant 0 : i32
    %dma_start3A_406 = tpu.memref_slice %arg10[%dma_start3A_401, %dma_start3A_405] : memref<4x32xi32, #tpu.memory_space<vmem>> -> memref<1x32xi32, #tpu.memory_space<vmem>>
    %dma_start3A_407 = tpu.memref_squeeze %dma_start3A_406 : memref<1x32xi32, #tpu.memory_space<vmem>> -> memref<32xi32, #tpu.memory_space<vmem>>
    %dma_start3A_408 = arith.constant 0 : i32
    %dma_start3A_409 = arith.constant 0 : i32
    %dma_start3A_410 = tpu.memref_slice %arg12[%dma_start3A_408, %dma_start3A_409] : memref<2176x128xf32, #tpu.memory_space<vmem_shared>> -> memref<2176x128xf32, #tpu.memory_space<vmem_shared>>
    tpu.enqueue_indirect_dma source(%dma_start3A_404 : memref<32x128xf32, #tpu.memory_space<vmem>>) target(%dma_start3A_410 : memref<2176x128xf32, #tpu.memory_space<vmem_shared>>) offsets(%dma_start3A_407 : memref<32xi32, #tpu.memory_space<vmem>>) semaphore(%arg20 : memref<!tpu.dma_semaphore, #tpu.memory_space<semaphore_mem>>)
    %dma_wait3A_411 = arith.constant 3 : i32
    %dma_wait3A_412 = arith.constant 96 : i32
    %dma_wait3A_413 = arith.constant 0 : i32
    %dma_wait3A_414 = tpu.memref_slice %arg11[%dma_wait3A_412, %dma_wait3A_413] : memref<128x128xf32, #tpu.memory_space<vmem>> -> memref<32x128xf32, #tpu.memory_space<vmem>>
    %dma_wait3A_415 = arith.constant 0 : i32
    %dma_wait3A_416 = tpu.memref_slice %arg9[%dma_wait3A_411, %dma_wait3A_415] : memref<4x32xi32, #tpu.memory_space<vmem>> -> memref<1x32xi32, #tpu.memory_space<vmem>>
    %dma_wait3A_417 = tpu.memref_squeeze %dma_wait3A_416 : memref<1x32xi32, #tpu.memory_space<vmem>> -> memref<32xi32, #tpu.memory_space<vmem>>
    %dma_wait3A_418 = arith.constant 0 : i32
    %dma_wait3A_419 = arith.constant 0 : i32
    %dma_wait3A_420 = tpu.memref_slice %arg3[%dma_wait3A_418, %dma_wait3A_419] : memref<827392x128xf32, #tpu.memory_space<hbm>> -> memref<827392x128xf32, #tpu.memory_space<hbm>>
    tpu.wait_indirect_dma semaphore(%arg17 : memref<!tpu.dma_semaphore, #tpu.memory_space<semaphore_mem>>) src(%dma_wait3A_420 : memref<827392x128xf32, #tpu.memory_space<hbm>>) dst(%dma_wait3A_414 : memref<32x128xf32, #tpu.memory_space<vmem>>)
    %dma_start3A_421 = arith.constant 3 : i32
    %dma_start3A_422 = arith.constant 96 : i32
    %dma_start3A_423 = arith.constant 0 : i32
    %dma_start3A_424 = tpu.memref_slice %arg11[%dma_start3A_422, %dma_start3A_423] : memref<128x128xf32, #tpu.memory_space<vmem>> -> memref<32x128xf32, #tpu.memory_space<vmem>>
    %dma_start3A_425 = arith.constant 0 : i32
    %dma_start3A_426 = tpu.memref_slice %arg10[%dma_start3A_421, %dma_start3A_425] : memref<4x32xi32, #tpu.memory_space<vmem>> -> memref<1x32xi32, #tpu.memory_space<vmem>>
    %dma_start3A_427 = tpu.memref_squeeze %dma_start3A_426 : memref<1x32xi32, #tpu.memory_space<vmem>> -> memref<32xi32, #tpu.memory_space<vmem>>
    %dma_start3A_428 = arith.constant 0 : i32
    %dma_start3A_429 = arith.constant 0 : i32
    %dma_start3A_430 = tpu.memref_slice %arg12[%dma_start3A_428, %dma_start3A_429] : memref<2176x128xf32, #tpu.memory_space<vmem_shared>> -> memref<2176x128xf32, #tpu.memory_space<vmem_shared>>
    tpu.enqueue_indirect_dma source(%dma_start3A_424 : memref<32x128xf32, #tpu.memory_space<vmem>>) target(%dma_start3A_430 : memref<2176x128xf32, #tpu.memory_space<vmem_shared>>) offsets(%dma_start3A_427 : memref<32xi32, #tpu.memory_space<vmem>>) semaphore(%arg21 : memref<!tpu.dma_semaphore, #tpu.memory_space<semaphore_mem>>)
    %dma_wait3A_431 = arith.constant 0 : i32
    %dma_wait3A_432 = arith.constant 0 : i32
    %dma_wait3A_433 = arith.constant 0 : i32
    %dma_wait3A_434 = tpu.memref_slice %arg11[%dma_wait3A_432, %dma_wait3A_433] : memref<128x128xf32, #tpu.memory_space<vmem>> -> memref<32x128xf32, #tpu.memory_space<vmem>>
    %dma_wait3A_435 = arith.constant 0 : i32
    %dma_wait3A_436 = tpu.memref_slice %arg10[%dma_wait3A_431, %dma_wait3A_435] : memref<4x32xi32, #tpu.memory_space<vmem>> -> memref<1x32xi32, #tpu.memory_space<vmem>>
    %dma_wait3A_437 = tpu.memref_squeeze %dma_wait3A_436 : memref<1x32xi32, #tpu.memory_space<vmem>> -> memref<32xi32, #tpu.memory_space<vmem>>
    %dma_wait3A_438 = arith.constant 0 : i32
    %dma_wait3A_439 = arith.constant 0 : i32
    %dma_wait3A_440 = tpu.memref_slice %arg12[%dma_wait3A_438, %dma_wait3A_439] : memref<2176x128xf32, #tpu.memory_space<vmem_shared>> -> memref<2176x128xf32, #tpu.memory_space<vmem_shared>>
    tpu.wait_indirect_dma semaphore(%arg18 : memref<!tpu.dma_semaphore, #tpu.memory_space<semaphore_mem>>) src(%dma_wait3A_434 : memref<32x128xf32, #tpu.memory_space<vmem>>) dst(%dma_wait3A_440 : memref<2176x128xf32, #tpu.memory_space<vmem_shared>>)
    %add3A_441 = arith.constant 0 : i32
    %add3A_442 = arith.addi %mul3A_4, %add3A_441 : i32
    %add3A_443 = arith.constant 0 : i32
    %add3A_444 = arith.addi %mul3A_2, %add3A_443 : i32
    %dma_start3A_445 = arith.constant 0 : i32
    %dma_start3A_446 = tpu.memref_slice %arg6[%add3A_444, %dma_start3A_445] : memref<4096x128xf32, #tpu.memory_space<hbm>> -> memref<32x128xf32, #tpu.memory_space<hbm>>
    %dma_start3A_447 = arith.constant 0 : i32
    %dma_start3A_448 = tpu.memref_slice %arg12[%add3A_442, %dma_start3A_447] : memref<2176x128xf32, #tpu.memory_space<vmem_shared>> -> memref<32x128xf32, #tpu.memory_space<vmem_shared>>
    tpu.enqueue_dma source(%dma_start3A_448 : memref<32x128xf32, #tpu.memory_space<vmem_shared>>) target(%dma_start3A_446 : memref<32x128xf32, #tpu.memory_space<hbm>>) target_semaphore(%arg22 : memref<!tpu.dma_semaphore, #tpu.memory_space<semaphore_mem>>)
    %dma_wait3A_449 = arith.constant 1 : i32
    %dma_wait3A_450 = arith.constant 32 : i32
    %dma_wait3A_451 = arith.constant 0 : i32
    %dma_wait3A_452 = tpu.memref_slice %arg11[%dma_wait3A_450, %dma_wait3A_451] : memref<128x128xf32, #tpu.memory_space<vmem>> -> memref<32x128xf32, #tpu.memory_space<vmem>>
    %dma_wait3A_453 = arith.constant 0 : i32
    %dma_wait3A_454 = tpu.memref_slice %arg10[%dma_wait3A_449, %dma_wait3A_453] : memref<4x32xi32, #tpu.memory_space<vmem>> -> memref<1x32xi32, #tpu.memory_space<vmem>>
    %dma_wait3A_455 = tpu.memref_squeeze %dma_wait3A_454 : memref<1x32xi32, #tpu.memory_space<vmem>> -> memref<32xi32, #tpu.memory_space<vmem>>
    %dma_wait3A_456 = arith.constant 0 : i32
    %dma_wait3A_457 = arith.constant 0 : i32
    %dma_wait3A_458 = tpu.memref_slice %arg12[%dma_wait3A_456, %dma_wait3A_457] : memref<2176x128xf32, #tpu.memory_space<vmem_shared>> -> memref<2176x128xf32, #tpu.memory_space<vmem_shared>>
    tpu.wait_indirect_dma semaphore(%arg19 : memref<!tpu.dma_semaphore, #tpu.memory_space<semaphore_mem>>) src(%dma_wait3A_452 : memref<32x128xf32, #tpu.memory_space<vmem>>) dst(%dma_wait3A_458 : memref<2176x128xf32, #tpu.memory_space<vmem_shared>>)
    %add3A_459 = arith.constant 32 : i32
    %add3A_460 = arith.addi %mul3A_4, %add3A_459 : i32
    %add3A_461 = arith.constant 32 : i32
    %add3A_462 = arith.addi %mul3A_2, %add3A_461 : i32
    %dma_start3A_463 = arith.constant 0 : i32
    %dma_start3A_464 = tpu.memref_slice %arg6[%add3A_462, %dma_start3A_463] : memref<4096x128xf32, #tpu.memory_space<hbm>> -> memref<32x128xf32, #tpu.memory_space<hbm>>
    %dma_start3A_465 = arith.constant 0 : i32
    %dma_start3A_466 = tpu.memref_slice %arg12[%add3A_460, %dma_start3A_465] : memref<2176x128xf32, #tpu.memory_space<vmem_shared>> -> memref<32x128xf32, #tpu.memory_space<vmem_shared>>
    tpu.enqueue_dma source(%dma_start3A_466 : memref<32x128xf32, #tpu.memory_space<vmem_shared>>) target(%dma_start3A_464 : memref<32x128xf32, #tpu.memory_space<hbm>>) target_semaphore(%arg23 : memref<!tpu.dma_semaphore, #tpu.memory_space<semaphore_mem>>)
    %dma_wait3A_467 = arith.constant 2 : i32
    %dma_wait3A_468 = arith.constant 64 : i32
    %dma_wait3A_469 = arith.constant 0 : i32
    %dma_wait3A_470 = tpu.memref_slice %arg11[%dma_wait3A_468, %dma_wait3A_469] : memref<128x128xf32, #tpu.memory_space<vmem>> -> memref<32x128xf32, #tpu.memory_space<vmem>>
    %dma_wait3A_471 = arith.constant 0 : i32
    %dma_wait3A_472 = tpu.memref_slice %arg10[%dma_wait3A_467, %dma_wait3A_471] : memref<4x32xi32, #tpu.memory_space<vmem>> -> memref<1x32xi32, #tpu.memory_space<vmem>>
    %dma_wait3A_473 = tpu.memref_squeeze %dma_wait3A_472 : memref<1x32xi32, #tpu.memory_space<vmem>> -> memref<32xi32, #tpu.memory_space<vmem>>
    %dma_wait3A_474 = arith.constant 0 : i32
    %dma_wait3A_475 = arith.constant 0 : i32
    %dma_wait3A_476 = tpu.memref_slice %arg12[%dma_wait3A_474, %dma_wait3A_475] : memref<2176x128xf32, #tpu.memory_space<vmem_shared>> -> memref<2176x128xf32, #tpu.memory_space<vmem_shared>>
    tpu.wait_indirect_dma semaphore(%arg20 : memref<!tpu.dma_semaphore, #tpu.memory_space<semaphore_mem>>) src(%dma_wait3A_470 : memref<32x128xf32, #tpu.memory_space<vmem>>) dst(%dma_wait3A_476 : memref<2176x128xf32, #tpu.memory_space<vmem_shared>>)
    %add3A_477 = arith.constant 64 : i32
    %add3A_478 = arith.addi %mul3A_4, %add3A_477 : i32
    %add3A_479 = arith.constant 64 : i32
    %add3A_480 = arith.addi %mul3A_2, %add3A_479 : i32
    %dma_start3A_481 = arith.constant 0 : i32
    %dma_start3A_482 = tpu.memref_slice %arg6[%add3A_480, %dma_start3A_481] : memref<4096x128xf32, #tpu.memory_space<hbm>> -> memref<32x128xf32, #tpu.memory_space<hbm>>
    %dma_start3A_483 = arith.constant 0 : i32
    %dma_start3A_484 = tpu.memref_slice %arg12[%add3A_478, %dma_start3A_483] : memref<2176x128xf32, #tpu.memory_space<vmem_shared>> -> memref<32x128xf32, #tpu.memory_space<vmem_shared>>
    tpu.enqueue_dma source(%dma_start3A_484 : memref<32x128xf32, #tpu.memory_space<vmem_shared>>) target(%dma_start3A_482 : memref<32x128xf32, #tpu.memory_space<hbm>>) target_semaphore(%arg24 : memref<!tpu.dma_semaphore, #tpu.memory_space<semaphore_mem>>)
    %dma_wait3A_485 = arith.constant 3 : i32
    %dma_wait3A_486 = arith.constant 96 : i32
    %dma_wait3A_487 = arith.constant 0 : i32
    %dma_wait3A_488 = tpu.memref_slice %arg11[%dma_wait3A_486, %dma_wait3A_487] : memref<128x128xf32, #tpu.memory_space<vmem>> -> memref<32x128xf32, #tpu.memory_space<vmem>>
    %dma_wait3A_489 = arith.constant 0 : i32
    %dma_wait3A_490 = tpu.memref_slice %arg10[%dma_wait3A_485, %dma_wait3A_489] : memref<4x32xi32, #tpu.memory_space<vmem>> -> memref<1x32xi32, #tpu.memory_space<vmem>>
    %dma_wait3A_491 = tpu.memref_squeeze %dma_wait3A_490 : memref<1x32xi32, #tpu.memory_space<vmem>> -> memref<32xi32, #tpu.memory_space<vmem>>
    %dma_wait3A_492 = arith.constant 0 : i32
    %dma_wait3A_493 = arith.constant 0 : i32
    %dma_wait3A_494 = tpu.memref_slice %arg12[%dma_wait3A_492, %dma_wait3A_493] : memref<2176x128xf32, #tpu.memory_space<vmem_shared>> -> memref<2176x128xf32, #tpu.memory_space<vmem_shared>>
    tpu.wait_indirect_dma semaphore(%arg21 : memref<!tpu.dma_semaphore, #tpu.memory_space<semaphore_mem>>) src(%dma_wait3A_488 : memref<32x128xf32, #tpu.memory_space<vmem>>) dst(%dma_wait3A_494 : memref<2176x128xf32, #tpu.memory_space<vmem_shared>>)
    %add3A_495 = arith.constant 96 : i32
    %add3A_496 = arith.addi %mul3A_4, %add3A_495 : i32
    %add3A_497 = arith.constant 96 : i32
    %add3A_498 = arith.addi %mul3A_2, %add3A_497 : i32
    %dma_start3A_499 = arith.constant 0 : i32
    %dma_start3A_500 = tpu.memref_slice %arg6[%add3A_498, %dma_start3A_499] : memref<4096x128xf32, #tpu.memory_space<hbm>> -> memref<32x128xf32, #tpu.memory_space<hbm>>
    %dma_start3A_501 = arith.constant 0 : i32
    %dma_start3A_502 = tpu.memref_slice %arg12[%add3A_496, %dma_start3A_501] : memref<2176x128xf32, #tpu.memory_space<vmem_shared>> -> memref<32x128xf32, #tpu.memory_space<vmem_shared>>
    tpu.enqueue_dma source(%dma_start3A_502 : memref<32x128xf32, #tpu.memory_space<vmem_shared>>) target(%dma_start3A_500 : memref<32x128xf32, #tpu.memory_space<hbm>>) target_semaphore(%arg25 : memref<!tpu.dma_semaphore, #tpu.memory_space<semaphore_mem>>)
    %dma_wait3A_503 = arith.constant 0 : i32
    %dma_wait3A_504 = tpu.memref_slice %arg6[%add3A_444, %dma_wait3A_503] : memref<4096x128xf32, #tpu.memory_space<hbm>> -> memref<32x128xf32, #tpu.memory_space<hbm>>
    %dma_wait3A_505 = arith.constant 0 : i32
    %dma_wait3A_506 = tpu.memref_slice %arg12[%add3A_442, %dma_wait3A_505] : memref<2176x128xf32, #tpu.memory_space<vmem_shared>> -> memref<32x128xf32, #tpu.memory_space<vmem_shared>>
    tpu.wait_dma2 semaphore(%arg22 : memref<!tpu.dma_semaphore, #tpu.memory_space<semaphore_mem>>) src(%dma_wait3A_506 : memref<32x128xf32, #tpu.memory_space<vmem_shared>>) dst(%dma_wait3A_504 : memref<32x128xf32, #tpu.memory_space<hbm>>)
    %dma_wait3A_507 = arith.constant 0 : i32
    %dma_wait3A_508 = tpu.memref_slice %arg6[%add3A_462, %dma_wait3A_507] : memref<4096x128xf32, #tpu.memory_space<hbm>> -> memref<32x128xf32, #tpu.memory_space<hbm>>
    %dma_wait3A_509 = arith.constant 0 : i32
    %dma_wait3A_510 = tpu.memref_slice %arg12[%add3A_460, %dma_wait3A_509] : memref<2176x128xf32, #tpu.memory_space<vmem_shared>> -> memref<32x128xf32, #tpu.memory_space<vmem_shared>>
    tpu.wait_dma2 semaphore(%arg23 : memref<!tpu.dma_semaphore, #tpu.memory_space<semaphore_mem>>) src(%dma_wait3A_510 : memref<32x128xf32, #tpu.memory_space<vmem_shared>>) dst(%dma_wait3A_508 : memref<32x128xf32, #tpu.memory_space<hbm>>)
    %dma_wait3A_511 = arith.constant 0 : i32
    %dma_wait3A_512 = tpu.memref_slice %arg6[%add3A_480, %dma_wait3A_511] : memref<4096x128xf32, #tpu.memory_space<hbm>> -> memref<32x128xf32, #tpu.memory_space<hbm>>
    %dma_wait3A_513 = arith.constant 0 : i32
    %dma_wait3A_514 = tpu.memref_slice %arg12[%add3A_478, %dma_wait3A_513] : memref<2176x128xf32, #tpu.memory_space<vmem_shared>> -> memref<32x128xf32, #tpu.memory_space<vmem_shared>>
    tpu.wait_dma2 semaphore(%arg24 : memref<!tpu.dma_semaphore, #tpu.memory_space<semaphore_mem>>) src(%dma_wait3A_514 : memref<32x128xf32, #tpu.memory_space<vmem_shared>>) dst(%dma_wait3A_512 : memref<32x128xf32, #tpu.memory_space<hbm>>)
    %dma_wait3A_515 = arith.constant 0 : i32
    %dma_wait3A_516 = tpu.memref_slice %arg6[%add3A_498, %dma_wait3A_515] : memref<4096x128xf32, #tpu.memory_space<hbm>> -> memref<32x128xf32, #tpu.memory_space<hbm>>
    %dma_wait3A_517 = arith.constant 0 : i32
    %dma_wait3A_518 = tpu.memref_slice %arg12[%add3A_496, %dma_wait3A_517] : memref<2176x128xf32, #tpu.memory_space<vmem_shared>> -> memref<32x128xf32, #tpu.memory_space<vmem_shared>>
    tpu.wait_dma2 semaphore(%arg25 : memref<!tpu.dma_semaphore, #tpu.memory_space<semaphore_mem>>) src(%dma_wait3A_518 : memref<32x128xf32, #tpu.memory_space<vmem_shared>>) dst(%dma_wait3A_516 : memref<32x128xf32, #tpu.memory_space<hbm>>)
    return
  }
}

</mosaic_0001>

<sc_bundles>
// kernel: _state_stack_sc.3.cloned.1.call-start
scs
__scs_entry_jumppad:
0x0: {  	(pc) =	sbr.rel $0x88, $3  }
0x1: {  	(tag) =	ssettag $0x0;
	lr =	simm.s32 $0x1  }
0x2: {  	[smem:$0x3F9D] =	sst lr;
	_ =	strace $0xD0000000  }
0x3: {  	_ = 	snop  }
0x4: {  	_ = 	snop  }
0x5: {  	_ = 	snop  }
0x6: {  	_ = 	snop  }
0x7: {  	_ = 	snop  }
__scs_overlays_trampoline_lowered:
0x8: {  	[smem:$0x3FAC] =	sst s0  }
0x9: {  	[smem:$0x3FAD] =	sst s1  }
0xa: {  	[smem:$0x3FAE] =	sst s2  }
0xb: {  	[smem:$0x3FAF] =	sst s3  }
0xc: {  	[smem:$0x3FB0] =	sst s4  }
0xd: {  	[smem:$0x3FB1] =	sst s5  }
0xe: {  	[smem:$0x3FB2] =	sst s6  }
0xf: {  	[smem:$0x3FB3] =	sst s7  }
0x10: {  	[smem:$0x3FB4] =	sst s8  }
0x11: {  	[smem:$0x3FB5] =	sst s9;
	s0 =	simm.s32 @!p0 $0x0  }
0x12: {  	s1 =	sld [smem:$0x3F9B];
	s0 =	simm.s32 @p0 $0x1  }
0x13: {  	[smem:$0x3FB6] =	sst s0;
	s0 =	simm.s32 @!p1 $0x0  }
0x14: {  	s2 =	sld [smem:$0x3F9A];
	s0 =	simm.s32 @p1 $0x1  }
0x15: {  	[smem:$0x3FB7] =	sst s0;
	s0 =	simm.s32 @!p2 $0x0  }
0x16: {  	s3 =	sld [smem:$0x3FDB];
	s0 =	simm.s32 @p2 $0x1  }
0x17: {  	s4 =	simm.s32 $0x1BF5;
	[smem:$0x3FB9] =	sst s0  }
0x18: {  	s0 =	sld [smem:$0x3F9C];
	_ =	swait.ge [sflag:s4], $0x0  }
0x19: {  	s7 =	sld [smem:$0x3F9D]  }
0x1a: {  	s8 =	sadd.s32 $0xFFFFE003, lr  }
0x1b: {  	s9 =	sadd.s32 $0xFFFFFEF7, lr;
	s5 =	simm.s32 $0xFFFFFFFF;
	p2 =	slt.u32 s8, $0xFFFFF086  }
0x1c: {  	p1 =	slt.u32 s9, $0xF7A;
	s5 =	simm.s32 @!p2 $0x0  }
0x1d: {  	s5 =	simm.s32 @p1 $0x1;
	p0 =	seq.s32 s7, s2  }
0x1e: {  	s7 =	smul.u32 @!p0 $0xF7A, s2;
	p2 =	seq.s32 @!p0 s5, $0x0  }
0x1f: {  	s9 =	smul.u32 $0xF7A, s1;
	s8 =	simm.s32 @!p0 $0x1BF5;
	p2 =	por !p2, p0  }
0x20: {  	[sflag:s8] =	ssyncset.s32 @!p0 $0xFFFFF086;
	s6 =	sadd.s32 @!p0 s3, s7;
	s7 =	simm.s32 @!p0 $0x108  }
0x21: {  	s3 =	sadd.s32 s3, s9;
	s6 =	sadd.s32 @!p0 $0x88, s6;
	s7 =	simm.s32 @p2 $0x1082  }
0x22: {  	[simem:s7], [sflag:s8] =	dma.local @!p0 [hbm:s6], $0xF7A  }
0x23: {  	s9 =	sor.u32 $0xD0000000, s2;
	s6 =	simm.s32 $0x108;
	_ =	swait.ge @!p0 [sflag:s8], $0x0  }
0x24: {  	s3 =	sadd.s32 $0x88, s3;
	s6 =	simm.s32 @!p1 $0x1082;
	[sflag:s4] =	ssyncset.s32 $0xFFFFF086  }
0x25: {  	[simem:s6], [sflag:s4] =	dma.local [hbm:s3], $0xF7A  }
0x26: {  	[smem:$0x3F9D] =	sst s1;
	(tag) =	ssettag s2;
	_ =	strace s9  }
0x27: {  	s1 =	sld [smem:$0x3FAD]  }
0x28: {  	s2 =	sld [smem:$0x3FAE]  }
0x29: {  	s4 =	sld [smem:$0x3FB0]  }
0x2a: {  	p0 =	seq.s32 s5, $0x0;
	s5 =	sld [smem:$0x3FB1]  }
0x2b: {  	s6 =	sld [smem:$0x3FB2]  }
0x2c: {  	s7 =	sld [smem:$0x3FB3]  }
0x2d: {  	s3 =	simm.s32 $0x108;
	s8 =	sld [smem:$0x3FB4]  }
0x2e: {  	s3 =	simm.s32 @!p0 $0x1082;
	s9 =	sld [smem:$0x3FB5]  }
0x2f: {  	lr =	sadd.s32 s0, s3;
	s0 =	sld [smem:$0x3FAC]  }
0x30: {  	s3 =	sld [smem:$0x3FAF]  }
0x31: {  	[smem:$0x3FB8] =	sst s10  }
0x32: {  	s10 =	sld [smem:$0x3FB6];
	_ =	sdelay $0x3  }
0x33: {  	p0 =	seq.s32 s10, $0x1;
	s10 =	sld [smem:$0x3FB8];
	_ =	sdelay $0x3  }
0x34: {  	[smem:$0x3FB8] =	sst s10  }
0x35: {  	s10 =	sld [smem:$0x3FB7];
	_ =	sdelay $0x3  }
0x36: {  	p1 =	seq.s32 s10, $0x1;
	s10 =	sld [smem:$0x3FB8];
	_ =	sdelay $0x3  }
0x37: {  	[smem:$0x3FB8] =	sst s10  }
0x38: {  	s10 =	sld [smem:$0x3FB9]  }
0x39: {  	_ = 	snop;
	(pc) =	sbr.ind lr, $3  }
0x3a: {  	_ = 	snop  }
0x3b: {  	_ = 	snop  }
0x3c: {  	p2 =	seq.s32 s10, $0x1;
	s10 =	sld [smem:$0x3FB8]  }
0x3d: {  	_ =	shalt  }
0x3e: {  	_ =	shalt  }
0x3f: {  	_ =	shalt  }
0x40: {  	_ =	shalt  }
0x41: {  	_ =	shalt  }
0x42: {  	_ =	shalt  }
0x43: {  	_ =	shalt  }
0x44: {  	_ =	shalt  }
0x45: {  	_ =	shalt  }
0x46: {  	_ =	shalt  }
0x47: {  	_ =	shalt  }
0x48: {  	_ =	shalt  }
0x49: {  	_ =	shalt  }
0x4a: {  	_ =	shalt  }
0x4b: {  	_ =	shalt  }
0x4c: {  	_ =	shalt  }
0x4d: {  	_ =	shalt  }
0x4e: {  	_ =	shalt  }
0x4f: {  	_ =	shalt  }
0x50: {  	_ =	shalt  }
0x51: {  	_ =	shalt  }
0x52: {  	_ =	shalt  }
0x53: {  	_ =	shalt  }
0x54: {  	_ =	shalt  }
0x55: {  	_ =	shalt  }
0x56: {  	_ =	shalt  }
0x57: {  	_ =	shalt  }
0x58: {  	_ =	shalt  }
0x59: {  	_ =	shalt  }
0x5a: {  	_ =	shalt  }
0x5b: {  	_ =	shalt  }
0x5c: {  	_ =	shalt  }
0x5d: {  	_ =	shalt  }
0x5e: {  	_ =	shalt  }
0x5f: {  	_ =	shalt  }
0x60: {  	_ =	shalt  }
0x61: {  	_ =	shalt  }
0x62: {  	_ =	shalt  }
0x63: {  	_ =	shalt  }
0x64: {  	_ =	shalt  }
0x65: {  	_ =	shalt  }
0x66: {  	_ =	shalt  }
0x67: {  	_ =	shalt  }
0x68: {  	_ =	shalt  }
0x69: {  	_ =	shalt  }
0x6a: {  	_ =	shalt  }
0x6b: {  	_ =	shalt  }
0x6c: {  	_ =	shalt  }
0x6d: {  	_ =	shalt  }
0x6e: {  	_ =	shalt  }
0x6f: {  	_ =	shalt  }
0x70: {  	_ =	shalt  }
0x71: {  	_ =	shalt  }
0x72: {  	_ =	shalt  }
0x73: {  	_ =	shalt  }
0x74: {  	_ =	shalt  }
0x75: {  	_ =	shalt  }
0x76: {  	_ =	shalt  }
0x77: {  	_ =	shalt  }
0x78: {  	_ =	shalt  }
0x79: {  	_ =	shalt  }
0x7a: {  	_ =	shalt  }
0x7b: {  	_ =	shalt  }
0x7c: {  	_ =	shalt  }
0x7d: {  	_ =	shalt  }
0x7e: {  	_ =	shalt  }
0x7f: {  	_ =	shalt  }
0x80: {  	_ =	shalt  }
0x81: {  	_ =	shalt  }
0x82: {  	_ =	shalt  }
0x83: {  	_ =	shalt  }
0x84: {  	_ =	shalt  }
0x85: {  	_ =	shalt  }
0x86: {  	_ =	shalt  }
0x87: {  	_ =	shalt  }
.Lfunc_end0:
.L_simem_size_0:
called_computation_lowered:
.L_overlay_start_0:
0x88: {  	s2 =	sld [smem:$0x3FD9]  }
0x89: {  	s3 =	sld [smem:$0x3FFE];
	_ =	sdelay $0x1  }
0x8a: {  	s1 =	srdreg.scid  }
0x8b: {  	s0 =	sand.u32 $0x1, s1  }
0x8c: {  	s18 =	sshll.u32 s0, $0xA;
	s2 =	sadd.s32 s3, s2  }
0x8d: {  	s2 =	sadd.s32 s2, s18  }
0x8e: {  	[smem:$0x3FC4] =	sst s2  }
0x8f: {  	_ = 	snop  }
0x90: {  	s2 =	sld [smem:$0x3FC9]  }
0x91: {  	s19 =	sld [smem:$0x3FC8]  }
0x92: {  	s4 =	sld [smem:$0x3FC7]  }
0x93: {  	s5 =	sld [smem:$0x3FC6]  }
0x94: {  	s6 =	sld [smem:$0x3FD0];
	(tm) =	ssettm $0x1  }
0x95: {  	s7 =	sld [smem:$0x3FFB];
	_ =	sdelay $0x3  }
0x96: {  	_ =	strace s7  }
0x97: {  	s7 =	sld [smem:$0x3FFC];
	_ =	sdelay $0x3  }
0x98: {  	_ =	strace s7  }
0x99: {  	s7 =	sld [smem:$0x3FFD];
	_ =	sdelay $0x3  }
0x9a: {  	_ =	strace s7  }
0x9b: {  	_ =	strace $0x8FFFFFFF  }
0x9c: {  	s20 =	sld [smem:$0x3FDB];
	_ =	sdelay $0x1  }
0x9d: {  	s8 =	simm.s32 $_scs_section_size  }
0x9e: {  	s9 =	simm.s32 $_size__tile_overlayer_lowered;
	s10 =	simm.s32 $_tile_overlayer_lowered  }
0x9f: {  	s23 =	simm.s32 $0x1BFF;
	s22 =	sshll.u32 s10, $0x1;
	s7 =	sadd.s32 s8, s20  }
0xa0: {  	s11 =	simm.s32 $0x0;
	s21 =	sshll.u32 s9, $0x1;
	s9 =	sadd.s32 s22, s7  }
0xa1: {  	[timem:s11], [sflag:s23] =	dma.local [hbm:s9], s21  }
0xa2: {  	_ =	swait.ge [sflag:s23], s21  }
0xa3: {  	s8 =	ssub.s32 $0x0, s21;
	[sflag:s23] =	ssyncset.done $0x0  }
0xa4: {  	[sflag:s23] =	ssyncadd.s32 s8;
	_ =	sdelay $0x1  }
0xa5: {  	s24 =	simm.s32 $0x1B8B  }
0xa6: {  	_ =	swait.ge [sflag:s24], $0x1  }
0xa7: {  	[sflag:s24] =	ssyncset.done $0x0  }
0xa8: {  	s25 =	simm.s32 $0x1B8E;
	[sflag:s24] =	ssyncadd.s32 $0xFFFFFFFF  }
0xa9: {  	s26 =	simm.s32 $execute0_lowered;
	[smem:$0x3FD2] =	sst s25  }
0xaa: {  	s8 =	sshll.u32 s26, $0x1;
	_ =	strace $0x80000046;
	[dreg:$0x1] =	wrdreg $0xFFFFFFFF  }
0xab: {  	s28 =	simm.s32 $_size_execute0_lowered;
	s7 =	sadd.s32 s7, s8;
	[dreg:$0x0] =	wrdreg $0x0  }
0xac: {  	s8 =	sshll.u32 s28, $0x1;
	[dreg:$0x2] =	wrdreg s7  }
0xad: {  	[dreg:$0x3] =	wrdreg s8  }
0xae: {  	[dreg:$0x4] =	wrdreg $0xC0  }
0xaf: {  	_ =	task [dreg:s11], $0x5FFFF  }
0xb0: {  	[dreg:$0x1] =	wrdreg $0xFFFFFFFF  }
0xb1: {  	[dreg:$0x0] =	wrdreg $0x60  }
0xb2: {  	[dreg:$0x2] =	wrdreg s2  }
0xb3: {  	[dreg:$0x3] =	wrdreg s19  }
0xb4: {  	[dreg:$0x4] =	wrdreg s4  }
0xb5: {  	[dreg:$0x5] =	wrdreg s5  }
0xb6: {  	[dreg:$0x6] =	wrdreg s6  }
0xb7: {  	[dreg:$0x7] =	wrdreg $0x45000  }
0xb8: {  	[dreg:$0x8] =	wrdreg $0x9  }
0xb9: {  	_ =	task.clear_ibuf [dreg:s11], $0x9FFFF;
	_ =	strace $0x90000046  }
0xba: {  	s29 =	simm.s32 $0x9;
	_ =	strace $0x80000048  }
0xbb: {  	_ =	swait.ge [sflag:s29], $0x1  }
0xbc: {  	[sflag:s29] =	ssyncadd.s32 $0xFFFFFFFF  }
0xbd: {  	_ =	strace $0x90000048  }
0xbe: {  	_ =	sfence  }
0xbf: {  	s30 =	sld [smem:$0x0];
	_ =	sdelay $0x2  }
0xc0: {  	s31 =	sshll.u32 s1, $0xD;
	s1 =	sshrl.u32 s1, $0x2  }
0xc1: {  	s3 =	sand.u32 $0x4000, s31;
	s1 =	sadd.s32 s1, s30  }
0xc2: {  	s0 =	sor.u32 s3, s0;
	s1 =	sshll.u32 s1, $0x11  }
0xc3: {  	s0 =	sor.u32 s1, s0  }
0xc4: {  	s0 =	sadd.s32 $0x8F2B, s0  }
0xc5: {  	[sflag:s0] =	ssyncadd.remote.s32 $0x1  }
0xc6: {  	_ =	sfence.sel $0xFFFF  }
0xc7: {  	[dreg:$0x0] =	wrdreg $0xFFFFFFFF;
	(pc) =	sbr.abs _section_cstart, $3  }
0xc8: {  	[dreg:$0x1] =	wrdreg $0xFFFFFFFF  }
0xc9: {  	_ =	task.clear_ibuf [dreg:s11], $0x2FFFF;
	_ =	strace $0x9FFFFFFF  }
0xca: {  	(tm) =	ssettm $0x7FFFFFFF  }
0xcb: {  	_ =	shalt  }
tec
execute0_lowered:
.L_overlay_start_1:
0x0: {  	(tag) =	ssettag $0x1  }
0x1: {  	s2 =	rddreg [dreg:$0x0]  }
0x2: {  	s4 =	rddreg [dreg:$0x1]  }
0x3: {  	s6 =	rddreg [dreg:$0x2]  }
0x4: {  	s7 =	rddreg [dreg:$0x3];
	s1 =	srdreg.scid  }
0x5: {  	s12 =	rddreg [dreg:$0x4];
	s0 =	stileid.u32  }
0x6: {  	s3 =	rddreg [dreg:$0x5];
	s5 =	simm.s32 $0x0;
	s30 =	simm.s32 $0x80  }
0x7: {  	s31 =	simm.s32 $0x100;
	s8 =	sand.u32 $0x1, s1;
	s1 =	rddreg [dreg:$0x6]  }
0x8: {  	s9 =	sshll.u32 s0, $0x8;
	[smem:$0x7FF] =	sst s5;
	s10 =	sshll.u32 s8, $0x7  }
0x9: {  	_ =	strace $0x80000047;
	[dreg:$0xf] =	wrdreg s30;
	s11 =	sor.u32 s10, s9  }
0xa: {  	s16 =	simm.s32 $0x300;
	[dreg:$0x10] =	wrdreg s31;
	s14 =	sshll.u32 s11, $0x4  }
0xb: {  	[dreg:$0x14] =	wrdreg s16;
	s10 =	sshrl.u32 s11, $0x3;
	s17 =	sadd.s32 s2, s14  }
0xc: {  	s6 =	sadd.s32 s6, s10;
	[dreg:$0x7] =	wrdreg s17  }
0xd: {  	s15 =	smul.u32 $0x11000, s0;
	s19 =	sadd.s32 s7, s10;
	[dreg:$0x9] =	wrdreg s6  }
0xe: {  	s13 =	sor.u32 $0x20, s11;
	s20 =	sadd.s32 s12, s14;
	[dreg:$0xa] =	wrdreg s19  }
0xf: {  	s9 =	sor.u32 $0x40, s11;
	s7 =	simm.s32 $0x180;
	[dreg:$0xb] =	wrdreg s20  }
0x10: {  	s2 =	sshll.u32 s0, $0x6;
	s14 =	simm.s32 $0x280;
	[dreg:$0x11] =	wrdreg s7  }
0x11: {  	s21 =	sshll.u32 s13, $0x4;
	s18 =	sor.u32 $0x1C01, s2;
	[dreg:$0x13] =	wrdreg s14  }
0x12: {  	s23 =	sshll.u32 s9, $0x4;
	s22 =	sadd.s32 s12, s21;
	[dreg:$0x8] =	wrdreg s18  }
0x13: {  	s10 =	sor.u32 $0x60, s11;
	s24 =	sadd.s32 s12, s23;
	[dreg:$0xc] =	wrdreg s22  }
0x14: {  	s25 =	sshll.u32 s10, $0x4;
	s17 =	simm.s32 $0x380;
	[dreg:$0xd] =	wrdreg s24  }
0x15: {  	s26 =	sadd.s32 s12, s25;
	s12 =	simm.s32 $0x200;
	[dreg:$0x15] =	wrdreg s17  }
0x16: {  	s20 =	simm.s32 $0x480;
	[dreg:$0x12] =	wrdreg s12;
	s12 =	smul.u32 $0x88, s0  }
0x17: {  	s7 =	sshrl.u32 s15, $0x2;
	[dreg:$0x17] =	wrdreg s20  }
0x18: {  	s18 =	simm.s32 $0x400;
	[dreg:$0xe] =	wrdreg s26;
	s19 =	sadd.s32 $0x20, s12  }
0x19: {  	[dreg:$0x16] =	wrdreg s18;
	s15 =	sadd.s32 $0x40, s12;
	s16 =	sshll.u32 s19, $0x7  }
0x1a: {  	s17 =	rddreg [dreg:$0x8];
	s22 =	sshll.u32 s15, $0x7;
	s21 =	sadd.s32 s16, s3  }
0x1b: {  	s18 =	rddreg [dreg:$0x7];
	s16 =	sadd.s32 s22, s3;
	s6 =	sshrl.u32 s21, $0x3  }
0x1c: {  	s7 =	sadd.s32 s7, s3;
	s16 =	sshrl.u32 s16, $0x3;
	[dreg:$0x18] =	wrdreg s6  }
0x1d: {  	s6 =	sshrl.u32 s7, $0x3;
	[dreg:$0x19] =	wrdreg s16  }
0x1e: {  	[spmem:s6], [sflag:s17] =	dma.local [hbm:s18], $0x800  }
0x1f: {  	s7 =	simm.s32 $0xE;
	s23 =	rddreg [dreg:$0x9]  }
0x20: {  	[tilespmem:s5], [sflag:$0xE] =	stream.linear.gather [hbm4b:s23+s5], $0x80, $0x38;
	[tilespmem:$0x8900] =	vst v63  }
0x21: {  	_ =	swait.ge [sflag:s7], $0x80  }
0x22: {  	s24 =	rddreg [dreg:$0xa];
	[sflag:s7] =	ssyncset.done $0x0  }
0x23: {  	s25 =	rddreg [dreg:$0xf];
	[sflag:s7] =	ssyncadd.s32 $0xFFFFFF80  }
0x24: {  	[tilespmem:s25], [sflag:$0xE] =	stream.linear.gather [hbm4b:s24+s5], $0x80, $0x38;
	[tilespmem:$0x8900] =	vst v63  }
0x25: {  	_ =	swait.ge [sflag:s7], $0x80  }
0x26: {  	[sflag:s7] =	ssyncset.done $0x0  }
0x27: {  	[sflag:s7] =	ssyncadd.s32 $0xFFFFFF80  }
0x28: {  	v10 =	vld [tilespmem:$0xA0]  }
0x29: {  	v13 =	vld [tilespmem:$0x90]  }
0x2a: {  	v9 =	vld [tilespmem:$0x10]  }
0x2b: {  	v17 =	vld [tilespmem:$0xC0]  }
0x2c: {  	v16 =	vlaneseq.u32;
	s30 =	sor.u32 $0x10, s11;
	v14 =	vld [tilespmem:$0xB0]  }
0x2d: {  	v0 =	vor.u32 s11, v16;
	v3 =	vor.u32 s30, v16;
	s26 =	sadd.s32 $0x80, s12;
	v23 =	vld [tilespmem:$0x80]  }
0x2e: {  	v5 =	vor.u32 s13, v16;
	v1 =	vadd.s32 s12, v16;
	s31 =	sadd.s32 $0x10, s12;
	v2 =	vmov s26;
	s17 =	sor.u32 $0x30, s11;
	v11 =	vld [tilespmem:$0x20]  }
0x2f: {  	v4 =	vadd.s32 s31, v16;
	v6 =	vadd.s32 s19, v16;
	s18 =	sadd.s32 $0x30, s12;
	v7 =	vor.u32 s17, v16;
	v12 =	vld [tilespmem:$0x30]  }
0x30: {  	v8 =	vadd.s32 s18, v16;
	v19 =	vld [tilespmem:$0xF0];
	vm0 =	veq.s32 v10, $0x1;
	v15 =	vadd.s32 v9, v13  }
0x31: {  	v9 =	vadd.s32 s15, v16;
	vm11 =	veq.s32 v14, $0x1;
	v18 =	vsel vm0, v2, v6  }
0x32: {  	v20 =	vld [tilespmem:$0xE0];
	vm10 =	veq.s32 v17, $0x1;
	vm15 =	veq.s32 v23, $0x1;
	v57 =	vsel vm11, v2, v8;
	[tilespmem:$0x380] =	vst v18  }
0x33: {  	s19 =	sor.u32 $0x50, s11;
	v11 =	vadd.s32 v11, v10;
	v15 =	vshll.u32 v15, $0xC;
	v63 =	vsel vm15, v2, v1;
	v18 =	vld [tilespmem:$0x70];
	[tilespmem:$0x390] =	vst v57  }
0x34: {  	v22 =	vld [tilespmem:$0xD0];
	v10 =	vor.u32 s19, v16;
	v12 =	vadd.s32 v12, v14;
	v15 =	vor.u32 v3, v15;
	[tilespmem:$0x300] =	vst v63  }
0x35: {  	v14 =	vld [tilespmem:$0x60];
	vm12 =	veq.s32 v19, $0x1;
	v11 =	vshll.u32 v11, $0xC;
	[tilespmem:$0x110] =	vst v15;
	v15 =	vsel vm10, v2, v9  }
0x36: {  	s21 =	sadd.s32 $0x70, s12;
	s11 =	sor.u32 $0x70, s11;
	vm1 =	veq.s32 v13, $0x1;
	v21 =	vor.u32 v5, v11;
	[tilespmem:$0x400] =	vst v15;
	v15 =	vshll.u32 v12, $0xC  }
0x37: {  	v58 =	vld [tilespmem:$0x50];
	v13 =	vor.u32 s11, v16;
	[tilespmem:$0x180] =	vst v21;
	v12 =	vadd.s32 s21, v16;
	v15 =	vor.u32 v7, v15  }
0x38: {  	s20 =	sadd.s32 $0x60, s12;
	v24 =	vld [tilespmem:$0x0];
	vm13 =	veq.s32 v20, $0x1;
	[tilespmem:$0x190] =	vst v15;
	v15 =	vadd.s32 v18, v19;
	v18 =	vsel vm12, v2, v12  }
0x39: {  	vm14 =	veq.s32 v22, $0x1;
	v11 =	vadd.s32 s20, v16;
	v19 =	vsel vm1, v2, v4;
	[tilespmem:$0x490] =	vst v18;
	v18 =	vld [tilespmem:$0x40]  }
0x3a: {  	v59 =	vsel vm13, v2, v11;
	v15 =	vshll.u32 v15, $0xC;
	[tilespmem:$0x310] =	vst v19;
	v19 =	vadd.s32 v14, v20  }
0x3b: {  	s22 =	sadd.s32 $0x50, s12;
	[tilespmem:$0x480] =	vst v59;
	v14 =	vor.u32 s10, v16;
	v15 =	vor.u32 v13, v15;
	v19 =	vshll.u32 v19, $0xC  }
0x3c: {  	v60 =	vadd.s32 v58, v22;
	[tilespmem:$0x290] =	vst v15;
	v15 =	vadd.s32 s22, v16;
	v19 =	vor.u32 v14, v19  }
0x3d: {  	s8 =	ssub.s32 $0x2, s8;
	s13 =	simm.s32 $0x9;
	v62 =	vadd.s32 v24, v23;
	v61 =	vsel vm14, v2, v15;
	[tilespmem:$0x280] =	vst v19;
	v19 =	vshll.u32 v60, $0xC  }
0x3e: {  	s14 =	simm.s32 $0x20;
	s16 =	simm.s32 $0x3500;
	s18 =	simm.s32 $0x2500;
	[tilespmem:$0x410] =	vst v61;
	v17 =	vadd.s32 v18, v17;
	v18 =	vor.u32 v10, v19;
	v19 =	vshll.u32 v62, $0xC  }
0x3f: {  	s17 =	simm.s32 $0x7;
	s23 =	sshrl.u32 s8, $0x1;
	s25 =	rddreg [dreg:$0x10];
	v16 =	vor.u32 s9, v16;
	v17 =	vshll.u32 v17, $0xC;
	v19 =	vor.u32 v0, v19;
	[tilespmem:$0x210] =	vst v18  }
0x40: {  	s8 =	ssub.s32 s8, s23;
	s23 =	simm.s32 $0x4;
	s26 =	rddreg [dreg:$0x11];
	v17 =	vor.u32 v16, v17;
	[tilespmem:$0x100] =	vst v19  }
0x41: {  	s24 =	sshll.u32 s20, $0x7;
	s30 =	rddreg [dreg:$0x12];
	s21 =	simm.s32 $0x500;
	[tilespmem:$0x200] =	vst v17  }
0x42: {  	[tilespmem:s21], [sflag:$0x2] =	stream.indirect.gather [hbm4b:s4+s14], $0x80, s25, s14, $0xb8;
	[tilespmem:$0x8900] =	vst v63  }
0x43: {  	s31 =	rddreg [dreg:$0x13];
	s11 =	smax.u32 s8, $0x1;
	s20 =	simm.s32 $0x1500  }
0x44: {  	[tilespmem:s20], [sflag:$0x3] =	stream.indirect.gather [hbm4b:s4+s14], $0x80, s26, s14, $0xb8;
	[tilespmem:$0x8900] =	vst v63  }
0x45: {  	s19 =	simm.s32 $0x6;
	s15 =	simm.s32 $0x8;
	s8 =	simm.s32 $0xB  }
0x46: {  	[tilespmem:s18], [sflag:$0x4] =	stream.indirect.gather [hbm4b:s4+s14], $0x80, s30, s14, $0xb8;
	[tilespmem:$0x8900] =	vst v63  }
0x47: {  	p0 =	sne.s32 s11, $0x1;
	s28 =	sadd.s32 $0xFFFFFFFF, s11;
	s25 =	simm.s32 $0x1  }
0x48: {  	[tilespmem:s16], [sflag:$0x5] =	stream.indirect.gather [hbm4b:s4+s14], $0x80, s31, s14, $0xb8;
	[tilespmem:$0x8900] =	vst v63  }
.Ltmp0:
0x49: {  	s11 =	simm.s32 $0xC;
	_ =	swait.ge [sflag:s25], $0x800;
	(pc) =	sbr.rel @!p0 .LBB2_2-.Ltmp0, $4  }
0x4a: {  	s10 =	simm.s32 $0xA;
	s9 =	sadd.s32 s24, s3;
	[sflag:s25] =	ssyncset.done $0x0  }
0x4b: {  	s24 =	simm.s32 $0x3;
	s26 =	simm.s32 $0x2;
	[sflag:s25] =	ssyncadd.s32 $0xFFFFF800  }
0x4c: {  	s22 =	simm.s32 $0x5;
	s12 =	sshrl.u32 s9, $0x3;
	_ =	swait.ge [sflag:s26], $0x1000  }
0x4d: {  	s9 =	simm.s32 $0xD;
	[sflag:s26] =	ssyncset.done $0x0;
	s29 =	rddreg [dreg:$0x14]  }
.LBB2_1:
0x4e: {  	[sflag:s26] =	ssyncadd.s32 $0xFFFFF000  }
0x4f: {  	[spmem:s3] =	stream.indirect.scatter [tilespmem:s21], [sflag:$0x6], $0x80, s29, s14, $0xb8;
	[tilespmem:$0x8900] =	vst v63  }
0x50: {  	_ =	swait.ge [sflag:s24], $0x1000  }
0x51: {  	[sflag:s24] =	ssyncset.done $0x0  }
0x52: {  	s29 =	rddreg [dreg:$0x15];
	[sflag:s24] =	ssyncadd.s32 $0xFFFFF000  }
0x53: {  	[spmem:s3] =	stream.indirect.scatter [tilespmem:s20], [sflag:$0x7], $0x80, s29, s14, $0xb8;
	[tilespmem:$0x8900] =	vst v63  }
0x54: {  	_ =	swait.ge [sflag:s23], $0x1000  }
0x55: {  	[sflag:s23] =	ssyncset.done $0x0  }
0x56: {  	s29 =	rddreg [dreg:$0x16];
	[sflag:s23] =	ssyncadd.s32 $0xFFFFF000  }
0x57: {  	[spmem:s3] =	stream.indirect.scatter [tilespmem:s18], [sflag:$0x8], $0x80, s29, s14, $0xb8;
	[tilespmem:$0x8900] =	vst v63  }
0x58: {  	_ =	swait.ge [sflag:s22], $0x1000  }
0x59: {  	[sflag:s22] =	ssyncset.done $0x0  }
0x5a: {  	s29 =	rddreg [dreg:$0x17];
	[sflag:s22] =	ssyncadd.s32 $0xFFFFF000  }
0x5b: {  	[spmem:s3] =	stream.indirect.scatter [tilespmem:s16], [sflag:$0x9], $0x80, s29, s14, $0xb8;
	[tilespmem:$0x8900] =	vst v63  }
0x5c: {  	_ =	swait.ge [sflag:s19], $0x1000  }
0x5d: {  	[sflag:s19] =	ssyncset.done $0x0  }
0x5e: {  	s30 =	sor.u32 $0x1C0A, s2;
	s29 =	rddreg [dreg:$0xb];
	[sflag:s19] =	ssyncadd.s32 $0xFFFFF000  }
0x5f: {  	[hbm:s29], [sflag:s30] =	dma.local [spmem:s6], $0x200  }
0x60: {  	_ =	swait.ge [sflag:s17], $0x1000  }
0x61: {  	[sflag:s17] =	ssyncset.done $0x0;
	s29 =	rddreg [dreg:$0xc]  }
0x62: {  	s31 =	sor.u32 $0x1C0B, s2;
	s30 =	rddreg [dreg:$0x18];
	[sflag:s17] =	ssyncadd.s32 $0xFFFFF000  }
0x63: {  	[hbm:s29], [sflag:s31] =	dma.local [spmem:s30], $0x200  }
0x64: {  	_ =	swait.ge [sflag:s15], $0x1000  }
0x65: {  	[sflag:s15] =	ssyncset.done $0x0;
	s29 =	rddreg [dreg:$0xd]  }
0x66: {  	s31 =	sor.u32 $0x1C0C, s2;
	s30 =	rddreg [dreg:$0x19];
	[sflag:s15] =	ssyncadd.s32 $0xFFFFF000  }
0x67: {  	[hbm:s29], [sflag:s31] =	dma.local [spmem:s30], $0x200  }
0x68: {  	_ =	swait.ge [sflag:s13], $0x1000  }
0x69: {  	[sflag:s13] =	ssyncset.done $0x0  }
0x6a: {  	s31 =	sor.u32 $0x1C0D, s2;
	s29 =	rddreg [dreg:$0xe];
	[sflag:s13] =	ssyncadd.s32 $0xFFFFF000  }
0x6b: {  	[hbm:s29], [sflag:s31] =	dma.local [spmem:s12], $0x200  }
0x6c: {  	_ =	swait.ge [sflag:s10], $0x200  }
0x6d: {  	[sflag:s10] =	ssyncset.done $0x0  }
0x6e: {  	[sflag:s10] =	ssyncadd.s32 $0xFFFFFE00  }
0x6f: {  	_ =	swait.ge [sflag:s8], $0x200  }
0x70: {  	[sflag:s8] =	ssyncset.done $0x0  }
0x71: {  	[sflag:s8] =	ssyncadd.s32 $0xFFFFFE00  }
0x72: {  	_ =	swait.ge [sflag:s11], $0x200  }
0x73: {  	[sflag:s11] =	ssyncset.done $0x0  }
0x74: {  	[sflag:s11] =	ssyncadd.s32 $0xFFFFFE00  }
0x75: {  	_ =	swait.ge [sflag:s9], $0x200  }
0x76: {  	[sflag:s9] =	ssyncset.done $0x0;
	s29 =	rddreg [dreg:$0x8]  }
0x77: {  	s31 =	rddreg [dreg:$0x7];
	[sflag:s9] =	ssyncadd.s32 $0xFFFFFE00  }
0x78: {  	[spmem:s6], [sflag:s29] =	dma.local [hbm:s31], $0x800  }
0x79: {  	s29 =	rddreg [dreg:$0x9]  }
0x7a: {  	[tilespmem:s5], [sflag:$0xE] =	stream.linear.gather [hbm4b:s29+s5], $0x80, $0x38;
	[tilespmem:$0x8900] =	vst v63  }
0x7b: {  	_ =	swait.ge [sflag:s7], $0x80  }
0x7c: {  	s29 =	rddreg [dreg:$0xa];
	[sflag:s7] =	ssyncset.done $0x0  }
0x7d: {  	s31 =	rddreg [dreg:$0xf];
	[sflag:s7] =	ssyncadd.s32 $0xFFFFFF80  }
0x7e: {  	[tilespmem:s31], [sflag:$0xE] =	stream.linear.gather [hbm4b:s29+s5], $0x80, $0x38;
	[tilespmem:$0x8900] =	vst v63  }
0x7f: {  	_ =	swait.ge [sflag:s7], $0x80  }
0x80: {  	[sflag:s7] =	ssyncset.done $0x0  }
0x81: {  	[sflag:s7] =	ssyncadd.s32 $0xFFFFFF80  }
0x82: {  	v17 =	vld [tilespmem:$0xA0]  }
0x83: {  	v18 =	vld [tilespmem:$0x90]  }
0x84: {  	v19 =	vld [tilespmem:$0x10]  }
0x85: {  	v20 =	vld [tilespmem:$0xC0]  }
0x86: {  	v25 =	vld [tilespmem:$0xB0]  }
0x87: {  	v51 =	vld [tilespmem:$0xF0]  }
0x88: {  	v21 =	vld [tilespmem:$0x20]  }
0x89: {  	v54 =	vld [tilespmem:$0xE0];
	vm0 =	veq.s32 v17, $0x1  }
0x8a: {  	v57 =	vld [tilespmem:$0xD0];
	vm1 =	veq.s32 v20, $0x1;
	v23 =	vsel vm0, v2, v6  }
0x8b: {  	v24 =	vld [tilespmem:$0x30];
	vm11 =	veq.s32 v25, $0x1;
	v53 =	vsel vm1, v2, v9;
	[tilespmem:$0x380] =	vst v23  }
0x8c: {  	v26 =	vld [tilespmem:$0x80];
	vm12 =	veq.s32 v51, $0x1;
	v56 =	vsel vm11, v2, v8;
	[tilespmem:$0x400] =	vst v53  }
0x8d: {  	v19 =	vadd.s32 v19, v18;
	vm10 =	veq.s32 v18, $0x1;
	v59 =	vsel vm12, v2, v12;
	[tilespmem:$0x390] =	vst v56  }
0x8e: {  	v55 =	vld [tilespmem:$0x60];
	vm13 =	veq.s32 v54, $0x1;
	v18 =	vshll.u32 v19, $0xC;
	v19 =	vsel vm10, v2, v4;
	[tilespmem:$0x490] =	vst v59  }
0x8f: {  	v52 =	vld [tilespmem:$0x70];
	v17 =	vadd.s32 v21, v17;
	vm14 =	veq.s32 v57, $0x1;
	v61 =	vsel vm13, v2, v11;
	[tilespmem:$0x310] =	vst v19  }
0x90: {  	v22 =	vld [tilespmem:$0x40];
	v17 =	vshll.u32 v17, $0xC;
	v62 =	vsel vm14, v2, v15;
	[tilespmem:$0x480] =	vst v61  }
0x91: {  	v60 =	vld [tilespmem:$0x0];
	v24 =	vadd.s32 v24, v25;
	vm15 =	veq.s32 v26, $0x1;
	v17 =	vor.u32 v5, v17;
	[tilespmem:$0x410] =	vst v62  }
0x92: {  	v58 =	vld [tilespmem:$0x50];
	v63 =	vsel vm15, v2, v1;
	[tilespmem:$0x180] =	vst v17;
	v17 =	vshll.u32 v24, $0xC  }
0x93: {  	v19 =	vadd.s32 v55, v54;
	[tilespmem:$0x300] =	vst v63;
	v17 =	vor.u32 v7, v17  }
0x94: {  	v18 =	vor.u32 v3, v18;
	v19 =	vshll.u32 v19, $0xC;
	[tilespmem:$0x190] =	vst v17;
	v17 =	vadd.s32 v52, v51  }
0x95: {  	v20 =	vadd.s32 v22, v20;
	[tilespmem:$0x110] =	vst v18;
	v19 =	vor.u32 v14, v19;
	v17 =	vshll.u32 v17, $0xC  }
0x96: {  	v18 =	vshll.u32 v20, $0xC;
	[tilespmem:$0x280] =	vst v19;
	v19 =	vadd.s32 v60, v26;
	v17 =	vor.u32 v13, v17  }
0x97: {  	v18 =	vor.u32 v16, v18;
	v19 =	vshll.u32 v19, $0xC;
	[tilespmem:$0x290] =	vst v17;
	v17 =	vadd.s32 v58, v57  }
0x98: {  	[tilespmem:$0x200] =	vst v18;
	v19 =	vor.u32 v0, v19;
	v17 =	vshll.u32 v17, $0xC  }
0x99: {  	[tilespmem:$0x100] =	vst v19;
	v17 =	vor.u32 v10, v17  }
0x9a: {  	s29 =	rddreg [dreg:$0x10];
	[tilespmem:$0x210] =	vst v17  }
0x9b: {  	[tilespmem:s21], [sflag:$0x2] =	stream.indirect.gather [hbm4b:s4+s14], $0x80, s29, s14, $0xb8;
	[tilespmem:$0x8900] =	vst v63  }
0x9c: {  	s31 =	rddreg [dreg:$0x11]  }
0x9d: {  	[tilespmem:s20], [sflag:$0x3] =	stream.indirect.gather [hbm4b:s4+s14], $0x80, s31, s14, $0xb8;
	[tilespmem:$0x8900] =	vst v63  }
0x9e: {  	s29 =	rddreg [dreg:$0x12]  }
0x9f: {  	[tilespmem:s18], [sflag:$0x4] =	stream.indirect.gather [hbm4b:s4+s14], $0x80, s29, s14, $0xb8;
	[tilespmem:$0x8900] =	vst v63  }
0xa0: {  	p0 =	sne.s32 s28, $0x1;
	s31 =	rddreg [dreg:$0x13]  }
0xa1: {  	[tilespmem:s16], [sflag:$0x5] =	stream.indirect.gather [hbm4b:s4+s14], $0x80, s31, s14, $0xb8;
	[tilespmem:$0x8900] =	vst v63  }
.Ltmp1:
0xa2: {  	_ =	swait.ge [sflag:s25], $0x800;
	(pc) =	sbr.rel @p0 .LBB2_1-.Ltmp1, $4  }
0xa3: {  	[sflag:s25] =	ssyncset.done $0x0  }
0xa4: {  	[sflag:s25] =	ssyncadd.s32 $0xFFFFF800  }
0xa5: {  	_ =	swait.ge [sflag:s26], $0x1000  }
0xa6: {  	s28 =	sadd.s32 $0xFFFFFFFF, s28;
	[sflag:s26] =	ssyncset.done $0x0;
	s29 =	rddreg [dreg:$0x14]  }
.LBB2_2:
0xa7: {  	[sflag:s26] =	ssyncadd.s32 $0xFFFFF000  }
0xa8: {  	[spmem:s3] =	stream.indirect.scatter [tilespmem:s21], [sflag:$0x6], $0x80, s29, s14, $0xb8;
	[tilespmem:$0x8900] =	vst v63  }
0xa9: {  	_ =	swait.ge [sflag:s24], $0x1000  }
0xaa: {  	[sflag:s24] =	ssyncset.done $0x0  }
0xab: {  	s4 =	rddreg [dreg:$0x15];
	[sflag:s24] =	ssyncadd.s32 $0xFFFFF000  }
0xac: {  	[spmem:s3] =	stream.indirect.scatter [tilespmem:s20], [sflag:$0x7], $0x80, s4, s14, $0xb8;
	[tilespmem:$0x8900] =	vst v63  }
0xad: {  	_ =	swait.ge [sflag:s23], $0x1000  }
0xae: {  	[sflag:s23] =	ssyncset.done $0x0  }
0xaf: {  	s20 =	rddreg [dreg:$0x16];
	[sflag:s23] =	ssyncadd.s32 $0xFFFFF000  }
0xb0: {  	[spmem:s3] =	stream.indirect.scatter [tilespmem:s18], [sflag:$0x8], $0x80, s20, s14, $0xb8;
	[tilespmem:$0x8900] =	vst v63  }
0xb1: {  	_ =	swait.ge [sflag:s22], $0x1000  }
0xb2: {  	[sflag:s22] =	ssyncset.done $0x0  }
0xb3: {  	s21 =	rddreg [dreg:$0x17];
	[sflag:s22] =	ssyncadd.s32 $0xFFFFF000  }
0xb4: {  	[spmem:s3] =	stream.indirect.scatter [tilespmem:s16], [sflag:$0x9], $0x80, s21, s14, $0xb8;
	[tilespmem:$0x8900] =	vst v63  }
0xb5: {  	_ =	swait.ge [sflag:s19], $0x1000  }
0xb6: {  	[sflag:s19] =	ssyncset.done $0x0  }
0xb7: {  	s23 =	sor.u32 $0x1C0A, s2;
	s22 =	rddreg [dreg:$0xb];
	[sflag:s19] =	ssyncadd.s32 $0xFFFFF000  }
0xb8: {  	[hbm:s22], [sflag:s23] =	dma.local [spmem:s6], $0x200  }
0xb9: {  	_ =	swait.ge [sflag:s17], $0x1000  }
0xba: {  	s24 =	rddreg [dreg:$0xc];
	[sflag:s17] =	ssyncset.done $0x0  }
0xbb: {  	s5 =	sor.u32 $0x1C0B, s2;
	s25 =	rddreg [dreg:$0x18];
	[sflag:s17] =	ssyncadd.s32 $0xFFFFF000  }
0xbc: {  	[hbm:s24], [sflag:s5] =	dma.local [spmem:s25], $0x200  }
0xbd: {  	_ =	swait.ge [sflag:s15], $0x1000  }
0xbe: {  	s26 =	rddreg [dreg:$0xd];
	[sflag:s15] =	ssyncset.done $0x0  }
0xbf: {  	s29 =	sor.u32 $0x1C0C, s2;
	s28 =	rddreg [dreg:$0x19];
	[sflag:s15] =	ssyncadd.s32 $0xFFFFF000  }
0xc0: {  	[hbm:s26], [sflag:s29] =	dma.local [spmem:s28], $0x200  }
0xc1: {  	_ =	swait.ge [sflag:s13], $0x1000  }
0xc2: {  	[sflag:s13] =	ssyncset.done $0x0  }
0xc3: {  	s31 =	sor.u32 $0x1C0D, s2;
	s30 =	rddreg [dreg:$0xe];
	[sflag:s13] =	ssyncadd.s32 $0xFFFFF000  }
0xc4: {  	[hbm:s30], [sflag:s31] =	dma.local [spmem:s12], $0x200  }
0xc5: {  	_ =	swait.ge [sflag:s10], $0x200  }
0xc6: {  	[sflag:s10] =	ssyncset.done $0x0  }
0xc7: {  	[sflag:s10] =	ssyncadd.s32 $0xFFFFFE00  }
0xc8: {  	_ =	swait.ge [sflag:s8], $0x200  }
0xc9: {  	[sflag:s8] =	ssyncset.done $0x0  }
0xca: {  	[sflag:s8] =	ssyncadd.s32 $0xFFFFFE00  }
0xcb: {  	_ =	swait.ge [sflag:s11], $0x200  }
0xcc: {  	[sflag:s11] =	ssyncset.done $0x0  }
0xcd: {  	[sflag:s11] =	ssyncadd.s32 $0xFFFFFE00  }
0xce: {  	_ =	swait.ge [sflag:s9], $0x200  }
0xcf: {  	[sflag:s9] =	ssyncset.done $0x0  }
0xd0: {  	[sflag:s9] =	ssyncadd.s32 $0xFFFFFE00  }
0xd1: {  	_ =	sfence.sel $0x180000  }
0xd2: {  	[bflag:$0x0] =	sbarrier.arrive $0xFFFF  }
0xd3: {  	p0 =	sne.s32 s0, $0x0;
	_ =	strace $0x90000047  }
0xd4: {  	s0 =	sadd.s32 @!p0 $0x100000, s1;
	[bflag:$0x2] =	sbarrier.arrive $0xFFFF  }
0xd5: {  	[sflag:s0] =	ssyncadd.tile.s32 @!p0 $0x1;
	_ =	shalt  }
.Lfunc_end2:
_tile_overlayer_lowered:
.L_overlay_start_2:
0xd6: {  	(tag) =	ssettag $0x2  }
0xd7: {  	s0 =	rddreg [dreg:$0x0];
	s2 =	stileid.u32  }
0xd8: {  	s1 =	rddreg [dreg:$0x1];
	p0 =	sne.s32 s2, $0x0  }
0xd9: {  	s3 =	rddreg [dreg:$0x2];
	[bflag:$0x3] =	sbarrier.arrive $0xFFFF;
	s2 =	simm.s32 @!p0 $0x1C0E  }
0xda: {  	[timem:s3], [sflag:s2] =	dma.local @!p0 [hbm:s0], s1  }
0xdb: {  	s0 =	simm.s32 @!p0 $0xE  }
0xdc: {  	_ =	swait.ge @!p0 [sflag:s0], s1  }
0xdd: {  	s1 =	ssub.s32 @!p0 $0x0, s1;
	[sflag:s0] =	ssyncset.done @!p0 $0x0  }
0xde: {  	[sflag:s0] =	ssyncadd.s32 @!p0 s1  }
0xdf: {  	[bflag:$0x3] =	sbarrier.arrive $0xFFFF  }
0xe0: {  	_ =	shalt  }

</sc_bundles>
